<compile_context>
chip_gen: v7x
topology: tpu7x:2x2x1
jax: 0.10.2.dev20260603
libtpu: 0.0.44.dev20260713+nightly
codegen_flags: <defaults>
</compile_context>

<pallas_src>
import functools

import jax
import jax.numpy as jnp
from jax import lax
from jax.experimental import pallas as pl
from jax.experimental.pallas import tpu as pltpu
from jax.experimental.pallas import tpu_sc as plsc

D = 256
SUB = 128
SQRT_N = 512
K = 8
GSIZE = 16
NCHUNK = SQRT_N // GSIZE
LANES = 16
NEG_INF = float("-inf")

BLOCK_R = 512
SC_BATCH = 32



def _tc_body(q_ref, ck1_ref, ck2_ref, w_ref, b_ref,
             s1_ref, s2_ref, cm1_ref, cm2_ref, aux_ref, ps_ref, *, grid):
    i = pl.program_id(0)

    @pl.when(i == 0)
    def _init():
        ps_ref[...] = jnp.zeros_like(ps_ref)

    q = q_ref[...]
    mu = jnp.mean(q, axis=-1, keepdims=True)
    var = jnp.mean((q - mu) ** 2, axis=-1, keepdims=True)
    qn = (q - mu) / jnp.sqrt(var + 1e-5) * w_ref[...] + b_ref[...]

    s1 = jnp.dot(qn[:, :SUB], ck1_ref[...], preferred_element_type=jnp.float32)
    s2 = jnp.dot(qn[:, SUB:], ck2_ref[...], preferred_element_type=jnp.float32)
    for bb in range(4):
        s1_ref[bb, :, :] = s1[:, bb * 128:(bb + 1) * 128]
        s2_ref[bb, :, :] = s2[:, bb * 128:(bb + 1) * 128]

    sel = jnp.equal(
        lax.broadcasted_iota(jnp.int32, (SQRT_N, NCHUNK), 0),
        GSIZE * lax.broadcasted_iota(jnp.int32, (SQRT_N, NCHUNK), 1),
    ).astype(jnp.float32)

    def chunk_max(s):
        x = s
        for sh in (1, 2, 4, 8):
            x = jnp.maximum(x, pltpu.roll(x, SQRT_N - sh, 1))
        return jnp.dot(x, sel, preferred_element_type=jnp.float32,
                       precision=lax.Precision.HIGHEST)

    cm1_ref[...] = chunk_max(s1)
    cm2_ref[...] = chunk_max(s2)

    e1 = jnp.exp(s1)
    e2 = jnp.exp(s2)
    p1 = e1 / jnp.sum(e1, axis=-1, keepdims=True)
    p2 = e2 / jnp.sum(e2, axis=-1, keepdims=True)
    ps_ref[0:1, :] = ps_ref[0:1, :] + jnp.sum(p1, axis=0, keepdims=True)
    ps_ref[1:2, :] = ps_ref[1:2, :] + jnp.sum(p2, axis=0, keepdims=True)

    @pl.when(i == grid - 1)
    def _fin():
        n_rows = grid * BLOCK_R
        ps = ps_ref[...] * (1.0 / n_rows)
        aux_ref[...] = jnp.sum(ps * ps).reshape(1, 1) * SQRT_N



def _i16():
    return lax.iota(jnp.int32, LANES)


def _gather16(x, idx):
    return lax.gather(
        x, idx.reshape(LANES, 1),
        lax.GatherDimensionNumbers(offset_dims=(), collapsed_slice_dims=(0,),
                                   start_index_map=(0,)),
        (1,), mode=lax.GatherScatterMode.PROMISE_IN_BOUNDS)


def _merge_desc(xk, xv, yk, yv):
    ryk = lax.rev(yk, (0,))
    ryv = lax.rev(yv, (0,))
    m = xk >= ryk
    return plsc.sort_key_val(jnp.where(m, xk, ryk), jnp.where(m, xv, ryv),
                             descending=True)


def _merge_da(xk, xv, yk, yv, desc):
    m = xk >= yk
    return plsc.sort_key_val(jnp.where(m, xk, yk), jnp.where(m, xv, yv),
                             descending=desc)




def _sc_body(rows_w, batch, nw,
             s1_hbm, s2_hbm, cm1_hbm, cm2_hbm, outi_hbm, outf_hbm,
             cm1_v, cm2_v, ids1_v, ids2_v, cand1_v, cand2_v,
             outi_v, outf_v, sem1, sem2):
    wid = lax.axis_index("s") * 2 + lax.axis_index("c")
    row0 = wid * rows_w
    nb = rows_w // batch
    iota = _i16()
    n8 = rows_w * nw * 8
    shift8 = jnp.maximum(iota - K, 0)
    a8 = (iota >= 8).astype(jnp.int32)
    a12 = (iota >= 12).astype(jnp.int32)
    a14 = (iota >= 14).astype(jnp.int32)
    pi_a = a8 + a12 + a14
    pj_a = iota - (8 * a8 + 4 * a12 + 2 * a14)
    ca = pi_a * K + pj_a
    pi_b = jnp.where(iota < 4, iota + 4, 0)
    pj_b = iota * 0
    cb = pi_b * K

    def top8_chunks(cm_v, off):
        ak = cm_v[pl.ds(off, LANES)]
        bk = cm_v[pl.ds(off + LANES, LANES)]
        ask, asv = plsc.sort_key_val(ak, iota, descending=True)
        bsk, bsv = plsc.sort_key_val(bk, iota + LANES, descending=False)
        _, mv = _merge_da(ask, asv, bsk, bsv, True)
        return mv

    def batch_body(bb, carry):
        rb = row0 + bb * batch

        pltpu.sync_copy(cm1_hbm.at[pl.ds(rb * NCHUNK, batch * NCHUNK)], cm1_v)
        pltpu.sync_copy(cm2_hbm.at[pl.ds(rb * NCHUNK, batch * NCHUNK)], cm2_v)

        def pair_body(pp, c):
            r = 2 * pp
            for cm_v, ids_v, cand_v, s_hbm, sem in (
                (cm1_v, ids1_v, cand1_v, s1_hbm, sem1),
                (cm2_v, ids2_v, cand2_v, s2_hbm, sem2),
            ):
                mv0 = top8_chunks(cm_v, r * NCHUNK)
                mv1 = top8_chunks(cm_v, (r + 1) * NCHUNK)
                ids16 = jnp.where(iota < K, mv0, _gather16(mv1, shift8))
                ids_v[pl.ds(r * K, LANES)] = ids16
                fidx = (lax.shift_right_logical(ids16, 3) * n8
                        + ((rb + r) + a8) * 8 + jnp.bitwise_and(ids16, 7))
                pltpu.async_copy(s_hbm.at[fidx],
                                 cand_v.at[pl.ds(r * K, LANES)], sem)
            return c
        lax.fori_loop(0, batch // 2, pair_body, 0)

        pltpu.make_async_copy(s1_hbm.at[pl.ds(0, batch * K)], cand1_v, sem1).wait()
        pltpu.make_async_copy(s2_hbm.at[pl.ds(0, batch * K)], cand2_v, sem2).wait()

        def row_body(r, c):
            tops = []
            for ids_v, cand_v in ((ids1_v, cand1_v), (ids2_v, cand2_v)):
                idsvec = ids_v[pl.ds(r * K, LANES)]
                runs = []
                for j in range(K):
                    p = r * K + j
                    v = cand_v[p, :]
                    runs.append(plsc.sort_key_val(v, iota + j * GSIZE,
                                                  descending=(j % 2 == 0)))
                while len(runs) > 1:
                    runs = [_merge_da(*runs[t], *runs[t + 1],
                                      (t // 2) % 2 == 0 or len(runs) == 2)
                            for t in range(0, len(runs), 2)]
                sk, sp = runs[0]
                sv = (_gather16(idsvec, lax.shift_right_logical(sp, 4)) * GSIZE
                      + jnp.bitwise_and(sp, GSIZE - 1))
                tops.append((sk, sv))
            (s1k, s1v), (s2k, s2v) = tops

            ka = _gather16(s1k, pi_a) + _gather16(s2k, pj_a)
            kb = _gather16(s1k, pi_b) + _gather16(s2k, pj_b)
            kb = jnp.where(iota < 4, kb, NEG_INF)
            ask, acs = plsc.sort_key_val(ka, ca, descending=True)
            fk, fc = _merge_desc(ask, acs, kb, cb)

            fi = lax.shift_right_logical(fc, 3)
            fj = jnp.bitwise_and(fc, 7)
            rr = _gather16(s1v, fi)
            rc = _gather16(s2v, fj)
            gi = rr * SQRT_N + rc
            outi_v[pl.ds(r * K, LANES)] = gi
            outf_v[pl.ds(r * K, LANES)] = fk
            return c
        lax.fori_loop(0, batch, row_body, 0)

        pltpu.sync_copy(outi_v.at[pl.ds(0, batch * K)],
                        outi_hbm.at[pl.ds(rb * K, batch * K)])
        pltpu.sync_copy(outf_v.at[pl.ds(0, batch * K)],
                        outf_hbm.at[pl.ds(rb * K, batch * K)])
        return carry

    lax.fori_loop(0, nb, batch_body, 0)



@jax.jit
def _run(query, c_keys, c_prime_keys, ln_weight, ln_bias):
    b, s, h, d = query.shape
    n = b * s * h
    q = query.reshape(n, d)
    ck1 = c_keys.T
    ck2 = c_prime_keys.T
    w = ln_weight.reshape(1, d)
    bias = ln_bias.reshape(1, d)

    grid = n // BLOCK_R
    s1, s2, cm1, cm2, aux = pl.pallas_call(
        functools.partial(_tc_body, grid=grid),
        grid=(grid,),
        in_specs=[
            pl.BlockSpec((BLOCK_R, d), lambda i: (i, 0)),
            pl.BlockSpec((SUB, SQRT_N), lambda i: (0, 0)),
            pl.BlockSpec((SUB, SQRT_N), lambda i: (0, 0)),
            pl.BlockSpec((1, d), lambda i: (0, 0)),
            pl.BlockSpec((1, d), lambda i: (0, 0)),
        ],
        out_specs=[
            pl.BlockSpec((4, BLOCK_R, 128), lambda i: (0, i, 0)),
            pl.BlockSpec((4, BLOCK_R, 128), lambda i: (0, i, 0)),
            pl.BlockSpec((BLOCK_R, NCHUNK), lambda i: (i, 0)),
            pl.BlockSpec((BLOCK_R, NCHUNK), lambda i: (i, 0)),
            pl.BlockSpec((1, 1), lambda i: (0, 0)),
        ],
        out_shape=[
            jax.ShapeDtypeStruct((4, n, 128), jnp.float32),
            jax.ShapeDtypeStruct((4, n, 128), jnp.float32),
            jax.ShapeDtypeStruct((n, NCHUNK), jnp.float32),
            jax.ShapeDtypeStruct((n, NCHUNK), jnp.float32),
            jax.ShapeDtypeStruct((1, 1), jnp.float32),
        ],
        scratch_shapes=[pltpu.VMEM((2, SQRT_N), jnp.float32)],
    )(q, ck1, ck2, w, bias)

    info = plsc.get_sparse_core_info()
    nw = info.num_cores * info.num_subcores
    rows_w = n // nw
    batch = SC_BATCH
    mesh = plsc.VectorSubcoreMesh(core_axis_name="c", subcore_axis_name="s")

    sc_fn = pl.kernel(
        functools.partial(_sc_body, rows_w, batch, nw),
        out_type=[
            jax.ShapeDtypeStruct((n * K,), jnp.int32),
            jax.ShapeDtypeStruct((n * K,), jnp.float32),
        ],
        mesh=mesh,
        compiler_params=pltpu.CompilerParams(use_tc_tiling_on_sc=False,
                                             needs_layout_passes=False),
        scratch_types=[
            pltpu.VMEM((batch * NCHUNK,), jnp.float32),
            pltpu.VMEM((batch * NCHUNK,), jnp.float32),
            pltpu.VMEM((batch * K + K,), jnp.int32),
            pltpu.VMEM((batch * K + K,), jnp.int32),
            pltpu.VMEM((batch * K, GSIZE), jnp.float32),
            pltpu.VMEM((batch * K, GSIZE), jnp.float32),
            pltpu.VMEM((batch * K + K,), jnp.int32),
            pltpu.VMEM((batch * K + K,), jnp.float32),
            pltpu.SemaphoreType.DMA,
            pltpu.SemaphoreType.DMA,
        ],
    )
    gidx, fsc = sc_fn(s1.reshape(n * NCHUNK, GSIZE),
                      s2.reshape(n * NCHUNK, GSIZE),
                      cm1.reshape(n * NCHUNK), cm2.reshape(n * NCHUNK))

    return (gidx.reshape(b, s, h, K), fsc.reshape(b, s, h, K),
            aux.reshape(()))


def kernel(query, c_keys, c_prime_keys, ln_weight, ln_bias):
    return _run(query, c_keys, c_prime_keys, ln_weight, ln_bias)

# --- scband reference (transcript-rebuilt; emitter-appended) ---
"""Pipeline reference for scband-product-key-retrieval-42614665511415 (READ-ONLY COPY).

The authoritative reference and input builder live on the scoring server;
editing this copy changes nothing except your own understanding.
"""

import jax, jax.numpy as jnp
import numpy as np

D = 256
SUB = 128
SQRT_N = 512
K = 8


def setup_inputs(seed: int = 0) -> dict:
    key = jax.random.key(seed)
    k1, k2, k3 = jax.random.split(key, 3)
    query = jax.random.normal(k1, (2, 4096, 8, D), dtype=jnp.float32)
    c_keys = jax.random.normal(k2, (SQRT_N, SUB), dtype=jnp.float32) * 0.1
    c_prime_keys = jax.random.normal(k3, (SQRT_N, SUB), dtype=jnp.float32) * 0.1
    ln_weight = jnp.ones((D,), dtype=jnp.float32)
    ln_bias = jnp.zeros((D,), dtype=jnp.float32)
    return {"query": query, "c_keys": c_keys, "c_prime_keys": c_prime_keys, "ln_weight": ln_weight, "ln_bias": ln_bias}


def _layernorm(x, w, b, eps=1e-5):
    mu = jnp.mean(x, axis=-1, keepdims=True)
    var = jnp.mean((x - mu) ** 2, axis=-1, keepdims=True)
    return (x - mu) / jnp.sqrt(var + eps) * w + b


def reference(query, c_keys, c_prime_keys, ln_weight, ln_bias):
    b, s, h, d = query.shape
    q_norm = _layernorm(query, ln_weight, ln_bias)
    q1 = q_norm[..., :SUB]
    q2 = q_norm[..., SUB:]
    scores1 = jnp.matmul(q1, c_keys.T)
    scores2 = jnp.matmul(q2, c_prime_keys.T)
    k_pre = min(K * 4, SQRT_N)
    top_s1, idx1 = jax.lax.top_k(scores1, k_pre)
    top_s2, idx2 = jax.lax.top_k(scores2, k_pre)
    joint_scores = top_s1[..., :, None] + top_s2[..., None, :]
    joint_flat = joint_scores.reshape(b, s, h, k_pre * k_pre)
    final_scores, best_flat_idx = jax.lax.top_k(joint_flat, K)
    row_idx = best_flat_idx // k_pre
    col_idx = best_flat_idx % k_pre
    real_row = jnp.take_along_axis(idx1, row_idx, axis=-1)
    real_col = jnp.take_along_axis(idx2, col_idx, axis=-1)
    global_indices = real_row * SQRT_N + real_col
    prob1 = jax.nn.softmax(scores1, axis=-1).reshape(-1, SQRT_N).mean(0)
    prob2 = jax.nn.softmax(scores2, axis=-1).reshape(-1, SQRT_N).mean(0)
    aux_loss = (jnp.sum(prob1 ** 2) + jnp.sum(prob2 ** 2)) * SQRT_N
    return global_indices, final_scores, aux_loss

if __name__ == "__main__":
    import jax
    _d = setup_inputs()
    print(jax.jit(kernel)(*tuple(_d.values())))

</pallas_src>

<mosaic_0001>
#map = affine_map<(d0, d1) -> (0, 0)>
#map1 = affine_map<(d0, d1) -> (0)>
module attributes {stable_mosaic.version = 14 : i64} {
  func.func @_sc_body(%arg0: i32, %arg1: i32, %arg2: memref<2097152x16xf32, #tpu.memory_space<hbm>>, %arg3: memref<2097152x16xf32, #tpu.memory_space<hbm>>, %arg4: memref<2097152xf32, #tpu.memory_space<hbm>>, %arg5: memref<2097152xf32, #tpu.memory_space<hbm>>, %arg6: memref<524288xi32, #tpu.memory_space<hbm>>, %arg7: memref<524288xf32, #tpu.memory_space<hbm>>, %arg8: memref<1024xf32, #tpu.memory_space<vmem>>, %arg9: memref<1024xf32, #tpu.memory_space<vmem>>, %arg10: memref<264xi32, #tpu.memory_space<vmem>>, %arg11: memref<264xi32, #tpu.memory_space<vmem>>, %arg12: memref<256x16xf32, #tpu.memory_space<vmem>>, %arg13: memref<256x16xf32, #tpu.memory_space<vmem>>, %arg14: memref<264xi32, #tpu.memory_space<vmem>>, %arg15: memref<264xf32, #tpu.memory_space<vmem>>, %arg16: memref<!tpu.dma_semaphore, #tpu.memory_space<semaphore_mem>>, %arg17: memref<!tpu.dma_semaphore, #tpu.memory_space<semaphore_mem>>) attributes {dimension_semantics = [#tpu.dimension_semantics<core_parallel>, #tpu.dimension_semantics<subcore_parallel>], iteration_bounds = array<i64: 2, 16>, scalar_prefetch = 0 : i64, scratch_operands = 10 : i64, tpu.core_type = #tpu.core_type<sc_vector_subcore>, window_params = [{transform_indices = #map}, {transform_indices = #map}, {transform_indices = #map1}, {transform_indices = #map1}, {transform_indices = #map1}, {transform_indices = #map1}]} {
    %mul3A = arith.constant 2 : i32
    %mul3A_0 = arith.muli %arg1, %mul3A : i32
    %add3A = arith.addi %mul3A_0, %arg0 : i32
    %mul3A_1 = arith.constant 2048 : i32
    %mul3A_2 = arith.muli %add3A, %mul3A_1 : i32
    %iota3A = tpu.iota {dimensions = array<i32: 0>} : vector<16xi32>
    %sub3A = arith.constant 8 : i32
    %sub3A_3 = vector.broadcast %sub3A : i32 to vector<16xi32>
    %sub3A_4 = arith.subi %iota3A, %sub3A_3 : vector<16xi32>
    %max3A = arith.constant 0 : i32
    %max3A_5 = vector.broadcast %max3A : i32 to vector<16xi32>
    %max3A_6 = arith.maxsi %sub3A_4, %max3A_5 : vector<16xi32>
    %ge3A = arith.constant 8 : i32
    %ge3A_7 = vector.broadcast %ge3A : i32 to vector<16xi32>
    %ge3A_8 = arith.cmpi sge, %iota3A, %ge3A_7 : vector<16xi32>
    %convert_element_type3A = arith.extui %ge3A_8 : vector<16xi1> to vector<16xi32>
    %ge3A_9 = arith.constant 12 : i32
    %ge3A_10 = vector.broadcast %ge3A_9 : i32 to vector<16xi32>
    %ge3A_11 = arith.cmpi sge, %iota3A, %ge3A_10 : vector<16xi32>
    %convert_element_type3A_12 = arith.extui %ge3A_11 : vector<16xi1> to vector<16xi32>
    %ge3A_13 = arith.constant 14 : i32
    %ge3A_14 = vector.broadcast %ge3A_13 : i32 to vector<16xi32>
    %ge3A_15 = arith.cmpi sge, %iota3A, %ge3A_14 : vector<16xi32>
    %convert_element_type3A_16 = arith.extui %ge3A_15 : vector<16xi1> to vector<16xi32>
    %add3A_17 = arith.addi %convert_element_type3A, %convert_element_type3A_12 : vector<16xi32>
    %add3A_18 = arith.addi %add3A_17, %convert_element_type3A_16 : vector<16xi32>
    %mul3A_19 = arith.constant 8 : i32
    %mul3A_20 = vector.broadcast %mul3A_19 : i32 to vector<16xi32>
    %mul3A_21 = arith.muli %mul3A_20, %convert_element_type3A : vector<16xi32>
    %mul3A_22 = arith.constant 4 : i32
    %mul3A_23 = vector.broadcast %mul3A_22 : i32 to vector<16xi32>
    %mul3A_24 = arith.muli %mul3A_23, %convert_element_type3A_12 : vector<16xi32>
    %add3A_25 = arith.addi %mul3A_21, %mul3A_24 : vector<16xi32>
    %mul3A_26 = arith.constant 2 : i32
    %mul3A_27 = vector.broadcast %mul3A_26 : i32 to vector<16xi32>
    %mul3A_28 = arith.muli %mul3A_27, %convert_element_type3A_16 : vector<16xi32>
    %add3A_29 = arith.addi %add3A_25, %mul3A_28 : vector<16xi32>
    %sub3A_30 = arith.subi %iota3A, %add3A_29 : vector<16xi32>
    %mul3A_31 = arith.constant 8 : i32
    %mul3A_32 = vector.broadcast %mul3A_31 : i32 to vector<16xi32>
    %mul3A_33 = arith.muli %add3A_18, %mul3A_32 : vector<16xi32>
    %add3A_34 = arith.addi %mul3A_33, %sub3A_30 : vector<16xi32>
    %lt3A = arith.constant 4 : i32
    %lt3A_35 = vector.broadcast %lt3A : i32 to vector<16xi32>
    %lt3A_36 = arith.cmpi slt, %iota3A, %lt3A_35 : vector<16xi32>
    %add3A_37 = arith.constant 4 : i32
    %add3A_38 = vector.broadcast %add3A_37 : i32 to vector<16xi32>
    %add3A_39 = arith.addi %iota3A, %add3A_38 : vector<16xi32>
    %jit3A = arith.constant 0 : i32
    %broadcast_in_dim3A = vector.broadcast %jit3A : i32 to vector<16xi32>
    %select_n3A = arith.select %lt3A_36, %add3A_39, %broadcast_in_dim3A : vector<16xi1>, vector<16xi32>
    %mul3A_40 = arith.constant 0 : i32
    %mul3A_41 = vector.broadcast %mul3A_40 : i32 to vector<16xi32>
    %mul3A_42 = arith.muli %iota3A, %mul3A_41 : vector<16xi32>
    %mul3A_43 = arith.constant 8 : i32
    %mul3A_44 = vector.broadcast %mul3A_43 : i32 to vector<16xi32>
    %mul3A_45 = arith.muli %select_n3A, %mul3A_44 : vector<16xi32>
    %scan3A = arith.constant 0 : i32
    %scan3A_46 = arith.constant 0 : i32
    %scan3A_47 = arith.constant 64 : i32
    %scan3A_48 = arith.addi %scan3A_46, %scan3A_47 : i32
    %scan3A_49 = arith.constant 1 : i32
    scf.for %scan3A_51 = %scan3A_46 to %scan3A_48 step %scan3A_49  : i32 {
      %mul3A_52 = arith.constant 32 : i32
      %mul3A_53 = arith.muli %scan3A_51, %mul3A_52 : i32
      %add3A_54 = arith.addi %mul3A_2, %mul3A_53 : i32
      %mul3A_55 = arith.constant 32 : i32
      %mul3A_56 = arith.muli %add3A_54, %mul3A_55 : i32
      "tpu.region"() ({
        %run_scoped3A = tpu.sem_alloc : memref<!tpu.dma_semaphore, #tpu.memory_space<semaphore_mem>>
        %dma_start3A = tpu.memref_slice %arg4[%mul3A_56] : memref<2097152xf32, #tpu.memory_space<hbm>> -> memref<1024xf32, #tpu.memory_space<hbm>>
        %dma_start3A_86 = tpu.memref_slice %arg4[%mul3A_56] : memref<2097152xf32, #tpu.memory_space<hbm>> -> memref<1024xf32, #tpu.memory_space<hbm>>
        tpu.enqueue_dma source(%dma_start3A_86 : memref<1024xf32, #tpu.memory_space<hbm>>) target(%arg8 : memref<1024xf32, #tpu.memory_space<vmem>>) target_semaphore(%run_scoped3A : memref<!tpu.dma_semaphore, #tpu.memory_space<semaphore_mem>>)
        %dma_wait3A_87 = tpu.memref_slice %arg4[%mul3A_56] : memref<2097152xf32, #tpu.memory_space<hbm>> -> memref<1024xf32, #tpu.memory_space<hbm>>
        %dma_wait3A_88 = tpu.memref_slice %arg4[%mul3A_56] : memref<2097152xf32, #tpu.memory_space<hbm>> -> memref<1024xf32, #tpu.memory_space<hbm>>
        tpu.wait_dma2 semaphore(%run_scoped3A : memref<!tpu.dma_semaphore, #tpu.memory_space<semaphore_mem>>) src(%dma_wait3A_88 : memref<1024xf32, #tpu.memory_space<hbm>>) dst(%arg8 : memref<1024xf32, #tpu.memory_space<vmem>>)
        tpu.yield
      }) : () -> ()
      %mul3A_57 = arith.constant 32 : i32
      %mul3A_58 = arith.muli %add3A_54, %mul3A_57 : i32
      "tpu.region"() ({
        %run_scoped3A = tpu.sem_alloc : memref<!tpu.dma_semaphore, #tpu.memory_space<semaphore_mem>>
        %dma_start3A = tpu.memref_slice %arg5[%mul3A_58] : memref<2097152xf32, #tpu.memory_space<hbm>> -> memref<1024xf32, #tpu.memory_space<hbm>>
        %dma_start3A_86 = tpu.memref_slice %arg5[%mul3A_58] : memref<2097152xf32, #tpu.memory_space<hbm>> -> memref<1024xf32, #tpu.memory_space<hbm>>
        tpu.enqueue_dma source(%dma_start3A_86 : memref<1024xf32, #tpu.memory_space<hbm>>) target(%arg9 : memref<1024xf32, #tpu.memory_space<vmem>>) target_semaphore(%run_scoped3A : memref<!tpu.dma_semaphore, #tpu.memory_space<semaphore_mem>>)
        %dma_wait3A_87 = tpu.memref_slice %arg5[%mul3A_58] : memref<2097152xf32, #tpu.memory_space<hbm>> -> memref<1024xf32, #tpu.memory_space<hbm>>
        %dma_wait3A_88 = tpu.memref_slice %arg5[%mul3A_58] : memref<2097152xf32, #tpu.memory_space<hbm>> -> memref<1024xf32, #tpu.memory_space<hbm>>
        tpu.wait_dma2 semaphore(%run_scoped3A : memref<!tpu.dma_semaphore, #tpu.memory_space<semaphore_mem>>) src(%dma_wait3A_88 : memref<1024xf32, #tpu.memory_space<hbm>>) dst(%arg9 : memref<1024xf32, #tpu.memory_space<vmem>>)
        tpu.yield
      }) : () -> ()
      %scan3A_59 = arith.constant 0 : i32
      %scan3A_60 = arith.constant 0 : i32
      %scan3A_61 = arith.constant 16 : i32
      %scan3A_62 = arith.addi %scan3A_60, %scan3A_61 : i32
      %scan3A_63 = arith.constant 1 : i32
      scf.for %scan3A_86 = %scan3A_60 to %scan3A_62 step %scan3A_63  : i32 {
        %mul3A_87 = arith.constant 2 : i32
        %mul3A_88 = arith.muli %mul3A_87, %scan3A_86 : i32
        %mul3A_89 = arith.constant 32 : i32
        %mul3A_90 = arith.muli %mul3A_88, %mul3A_89 : i32
        %get3A = arith.index_cast %mul3A_90 : i32 to index
        %get3A_91 = tpu.vector_load %arg8[%get3A] {strides = array<i32>} : memref<1024xf32, #tpu.memory_space<vmem>>, vector<16xf32>,
        %add3A_92 = arith.constant 16 : i32
        %add3A_93 = arith.addi %mul3A_90, %add3A_92 : i32
        %get3A_94 = arith.index_cast %add3A_93 : i32 to index
        %get3A_95 = tpu.vector_load %arg8[%get3A_94] {strides = array<i32>} : memref<1024xf32, #tpu.memory_space<vmem>>, vector<16xf32>,
        %masked_sort3A = arith.constant dense<true> : vector<16xi1>
        %masked_sort3A_96, %masked_sort3A_97, %masked_sort3A_98 = tpu.sort %get3A_91, %iota3A masked %masked_sort3A {descending = true} : (vector<16xf32>, vector<16xi32>, vector<16xi1>) -> (vector<16xi1>, vector<16xf32>, vector<16xi32>)
        %add3A_99 = arith.constant 16 : i32
        %add3A_100 = vector.broadcast %add3A_99 : i32 to vector<16xi32>
        %add3A_101 = arith.addi %iota3A, %add3A_100 : vector<16xi32>
        %masked_sort3A_102 = arith.constant dense<true> : vector<16xi1>
        %masked_sort3A_103, %masked_sort3A_104, %masked_sort3A_105 = tpu.sort %get3A_95, %add3A_101 masked %masked_sort3A_102 : (vector<16xf32>, vector<16xi32>, vector<16xi1>) -> (vector<16xi1>, vector<16xf32>, vector<16xi32>)
        %ge3A_106 = arith.cmpf oge, %masked_sort3A_97, %masked_sort3A_104 : vector<16xf32>
        %select_n3A_107 = arith.select %ge3A_106, %masked_sort3A_97, %masked_sort3A_104 : vector<16xi1>, vector<16xf32>
        %select_n3A_108 = arith.select %ge3A_106, %masked_sort3A_98, %masked_sort3A_105 : vector<16xi1>, vector<16xi32>
        %masked_sort3A_109 = arith.constant dense<true> : vector<16xi1>
        %masked_sort3A_110, %masked_sort3A_111, %masked_sort3A_112 = tpu.sort %select_n3A_107, %select_n3A_108 masked %masked_sort3A_109 {descending = true} : (vector<16xf32>, vector<16xi32>, vector<16xi1>) -> (vector<16xi1>, vector<16xf32>, vector<16xi32>)
        %add3A_113 = arith.constant 1 : i32
        %add3A_114 = arith.addi %mul3A_88, %add3A_113 : i32
        %mul3A_115 = arith.constant 32 : i32
        %mul3A_116 = arith.muli %add3A_114, %mul3A_115 : i32
        %get3A_117 = arith.index_cast %mul3A_116 : i32 to index
        %get3A_118 = tpu.vector_load %arg8[%get3A_117] {strides = array<i32>} : memref<1024xf32, #tpu.memory_space<vmem>>, vector<16xf32>,
        %add3A_119 = arith.constant 16 : i32
        %add3A_120 = arith.addi %mul3A_116, %add3A_119 : i32
        %get3A_121 = arith.index_cast %add3A_120 : i32 to index
        %get3A_122 = tpu.vector_load %arg8[%get3A_121] {strides = array<i32>} : memref<1024xf32, #tpu.memory_space<vmem>>, vector<16xf32>,
        %masked_sort3A_123 = arith.constant dense<true> : vector<16xi1>
        %masked_sort3A_124, %masked_sort3A_125, %masked_sort3A_126 = tpu.sort %get3A_118, %iota3A masked %masked_sort3A_123 {descending = true} : (vector<16xf32>, vector<16xi32>, vector<16xi1>) -> (vector<16xi1>, vector<16xf32>, vector<16xi32>)
        %add3A_127 = arith.constant 16 : i32
        %add3A_128 = vector.broadcast %add3A_127 : i32 to vector<16xi32>
        %add3A_129 = arith.addi %iota3A, %add3A_128 : vector<16xi32>
        %masked_sort3A_130 = arith.constant dense<true> : vector<16xi1>
        %masked_sort3A_131, %masked_sort3A_132, %masked_sort3A_133 = tpu.sort %get3A_122, %add3A_129 masked %masked_sort3A_130 : (vector<16xf32>, vector<16xi32>, vector<16xi1>) -> (vector<16xi1>, vector<16xf32>, vector<16xi32>)
        %ge3A_134 = arith.cmpf oge, %masked_sort3A_125, %masked_sort3A_132 : vector<16xf32>
        %select_n3A_135 = arith.select %ge3A_134, %masked_sort3A_125, %masked_sort3A_132 : vector<16xi1>, vector<16xf32>
        %select_n3A_136 = arith.select %ge3A_134, %masked_sort3A_126, %masked_sort3A_133 : vector<16xi1>, vector<16xi32>
        %masked_sort3A_137 = arith.constant dense<true> : vector<16xi1>
        %masked_sort3A_138, %masked_sort3A_139, %masked_sort3A_140 = tpu.sort %select_n3A_135, %select_n3A_136 masked %masked_sort3A_137 {descending = true} : (vector<16xf32>, vector<16xi32>, vector<16xi1>) -> (vector<16xi1>, vector<16xf32>, vector<16xi32>)
        %lt3A_141 = arith.constant 8 : i32
        %lt3A_142 = vector.broadcast %lt3A_141 : i32 to vector<16xi32>
        %lt3A_143 = arith.cmpi slt, %iota3A, %lt3A_142 : vector<16xi32>
        %reshape3A = vector.shape_cast %max3A_6 : vector<16xi32> to vector<16x1xi32>
        %gather3A = vector.shape_cast %reshape3A : vector<16x1xi32> to vector<16xi32>
        %gather3A_144 = tpu.dynamic_gather %masked_sort3A_140[%gather3A] in [0] : vector<16xi32>, vector<16xi32> -> vector<16xi32>
        %select_n3A_145 = arith.select %lt3A_143, %masked_sort3A_112, %gather3A_144 : vector<16xi1>, vector<16xi32>
        %mul3A_146 = arith.constant 8 : i32
        %mul3A_147 = arith.muli %mul3A_88, %mul3A_146 : i32
        %swap3A = arith.index_cast %mul3A_147 : i32 to index
        %swap3A_148 = tpu.vector_load %arg10[%swap3A] {strides = array<i32>} : memref<264xi32, #tpu.memory_space<vmem>>, vector<16xi32>,
        tpu.vector_store %arg10[%swap3A], %select_n3A_145 {strides = array<i32>} : memref<264xi32, #tpu.memory_space<vmem>>, vector<16xi32>,
        %shift_right_logical3A = arith.constant 3 : i32
        %shift_right_logical3A_149 = vector.broadcast %shift_right_logical3A : i32 to vector<16xi32>
        %shift_right_logical3A_150 = arith.shrui %select_n3A_145, %shift_right_logical3A_149 : vector<16xi32>
        %mul3A_151 = arith.constant 524288 : i32
        %mul3A_152 = vector.broadcast %mul3A_151 : i32 to vector<16xi32>
        %mul3A_153 = arith.muli %shift_right_logical3A_150, %mul3A_152 : vector<16xi32>
        %add3A_154 = arith.addi %add3A_54, %mul3A_88 : i32
        %add3A_155 = vector.broadcast %add3A_154 : i32 to vector<16xi32>
        %add3A_156 = arith.addi %add3A_155, %convert_element_type3A : vector<16xi32>
        %mul3A_157 = arith.constant 8 : i32
        %mul3A_158 = vector.broadcast %mul3A_157 : i32 to vector<16xi32>
        %mul3A_159 = arith.muli %add3A_156, %mul3A_158 : vector<16xi32>
        %add3A_160 = arith.addi %mul3A_153, %mul3A_159 : vector<16xi32>
        %and3A = arith.constant 7 : i32
        %and3A_161 = vector.broadcast %and3A : i32 to vector<16xi32>
        %and3A_162 = arith.andi %select_n3A_145, %and3A_161 : vector<16xi32>
        %add3A_163 = arith.addi %add3A_160, %and3A_162 : vector<16xi32>
        %mul3A_164 = arith.constant 8 : i32
        %mul3A_165 = arith.muli %mul3A_88, %mul3A_164 : i32
        %dma_start3A = arith.constant 0 : i32
        %dma_start3A_166 = tpu.memref_slice %arg12[%mul3A_165, %dma_start3A] : memref<256x16xf32, #tpu.memory_space<vmem>> -> memref<16x16xf32, #tpu.memory_space<vmem>>
        %dma_start3A_167 = arith.constant 0 : i32
        %dma_start3A_168 = arith.constant 0 : i32
        %dma_start3A_169 = tpu.memref_slice %arg2[%dma_start3A_167, %dma_start3A_168] : memref<2097152x16xf32, #tpu.memory_space<hbm>> -> memref<2097152x16xf32, #tpu.memory_space<hbm>>
        tpu.enqueue_indirect_dma source(%dma_start3A_169 : memref<2097152x16xf32, #tpu.memory_space<hbm>>) target(%dma_start3A_166 : memref<16x16xf32, #tpu.memory_space<vmem>>) offsets(%add3A_163 : vector<16xi32>) semaphore(%arg16 : memref<!tpu.dma_semaphore, #tpu.memory_space<semaphore_mem>>)
        %mul3A_170 = arith.constant 32 : i32
        %mul3A_171 = arith.muli %mul3A_88, %mul3A_170 : i32
        %get3A_172 = arith.index_cast %mul3A_171 : i32 to index
        %get3A_173 = tpu.vector_load %arg9[%get3A_172] {strides = array<i32>} : memref<1024xf32, #tpu.memory_space<vmem>>, vector<16xf32>,
        %add3A_174 = arith.constant 16 : i32
        %add3A_175 = arith.addi %mul3A_171, %add3A_174 : i32
        %get3A_176 = arith.index_cast %add3A_175 : i32 to index
        %get3A_177 = tpu.vector_load %arg9[%get3A_176] {strides = array<i32>} : memref<1024xf32, #tpu.memory_space<vmem>>, vector<16xf32>,
        %masked_sort3A_178 = arith.constant dense<true> : vector<16xi1>
        %masked_sort3A_179, %masked_sort3A_180, %masked_sort3A_181 = tpu.sort %get3A_173, %iota3A masked %masked_sort3A_178 {descending = true} : (vector<16xf32>, vector<16xi32>, vector<16xi1>) -> (vector<16xi1>, vector<16xf32>, vector<16xi32>)
        %add3A_182 = arith.constant 16 : i32
        %add3A_183 = vector.broadcast %add3A_182 : i32 to vector<16xi32>
        %add3A_184 = arith.addi %iota3A, %add3A_183 : vector<16xi32>
        %masked_sort3A_185 = arith.constant dense<true> : vector<16xi1>
        %masked_sort3A_186, %masked_sort3A_187, %masked_sort3A_188 = tpu.sort %get3A_177, %add3A_184 masked %masked_sort3A_185 : (vector<16xf32>, vector<16xi32>, vector<16xi1>) -> (vector<16xi1>, vector<16xf32>, vector<16xi32>)
        %ge3A_189 = arith.cmpf oge, %masked_sort3A_180, %masked_sort3A_187 : vector<16xf32>
        %select_n3A_190 = arith.select %ge3A_189, %masked_sort3A_180, %masked_sort3A_187 : vector<16xi1>, vector<16xf32>
        %select_n3A_191 = arith.select %ge3A_189, %masked_sort3A_181, %masked_sort3A_188 : vector<16xi1>, vector<16xi32>
        %masked_sort3A_192 = arith.constant dense<true> : vector<16xi1>
        %masked_sort3A_193, %masked_sort3A_194, %masked_sort3A_195 = tpu.sort %select_n3A_190, %select_n3A_191 masked %masked_sort3A_192 {descending = true} : (vector<16xf32>, vector<16xi32>, vector<16xi1>) -> (vector<16xi1>, vector<16xf32>, vector<16xi32>)
        %add3A_196 = arith.constant 1 : i32
        %add3A_197 = arith.addi %mul3A_88, %add3A_196 : i32
        %mul3A_198 = arith.constant 32 : i32
        %mul3A_199 = arith.muli %add3A_197, %mul3A_198 : i32
        %get3A_200 = arith.index_cast %mul3A_199 : i32 to index
        %get3A_201 = tpu.vector_load %arg9[%get3A_200] {strides = array<i32>} : memref<1024xf32, #tpu.memory_space<vmem>>, vector<16xf32>,
        %add3A_202 = arith.constant 16 : i32
        %add3A_203 = arith.addi %mul3A_199, %add3A_202 : i32
        %get3A_204 = arith.index_cast %add3A_203 : i32 to index
        %get3A_205 = tpu.vector_load %arg9[%get3A_204] {strides = array<i32>} : memref<1024xf32, #tpu.memory_space<vmem>>, vector<16xf32>,
        %masked_sort3A_206 = arith.constant dense<true> : vector<16xi1>
        %masked_sort3A_207, %masked_sort3A_208, %masked_sort3A_209 = tpu.sort %get3A_201, %iota3A masked %masked_sort3A_206 {descending = true} : (vector<16xf32>, vector<16xi32>, vector<16xi1>) -> (vector<16xi1>, vector<16xf32>, vector<16xi32>)
        %add3A_210 = arith.constant 16 : i32
        %add3A_211 = vector.broadcast %add3A_210 : i32 to vector<16xi32>
        %add3A_212 = arith.addi %iota3A, %add3A_211 : vector<16xi32>
        %masked_sort3A_213 = arith.constant dense<true> : vector<16xi1>
        %masked_sort3A_214, %masked_sort3A_215, %masked_sort3A_216 = tpu.sort %get3A_205, %add3A_212 masked %masked_sort3A_213 : (vector<16xf32>, vector<16xi32>, vector<16xi1>) -> (vector<16xi1>, vector<16xf32>, vector<16xi32>)
        %ge3A_217 = arith.cmpf oge, %masked_sort3A_208, %masked_sort3A_215 : vector<16xf32>
        %select_n3A_218 = arith.select %ge3A_217, %masked_sort3A_208, %masked_sort3A_215 : vector<16xi1>, vector<16xf32>
        %select_n3A_219 = arith.select %ge3A_217, %masked_sort3A_209, %masked_sort3A_216 : vector<16xi1>, vector<16xi32>
        %masked_sort3A_220 = arith.constant dense<true> : vector<16xi1>
        %masked_sort3A_221, %masked_sort3A_222, %masked_sort3A_223 = tpu.sort %select_n3A_218, %select_n3A_219 masked %masked_sort3A_220 {descending = true} : (vector<16xf32>, vector<16xi32>, vector<16xi1>) -> (vector<16xi1>, vector<16xf32>, vector<16xi32>)
        %lt3A_224 = arith.constant 8 : i32
        %lt3A_225 = vector.broadcast %lt3A_224 : i32 to vector<16xi32>
        %lt3A_226 = arith.cmpi slt, %iota3A, %lt3A_225 : vector<16xi32>
        %reshape3A_227 = vector.shape_cast %max3A_6 : vector<16xi32> to vector<16x1xi32>
        %gather3A_228 = vector.shape_cast %reshape3A_227 : vector<16x1xi32> to vector<16xi32>
        %gather3A_229 = tpu.dynamic_gather %masked_sort3A_223[%gather3A_228] in [0] : vector<16xi32>, vector<16xi32> -> vector<16xi32>
        %select_n3A_230 = arith.select %lt3A_226, %masked_sort3A_195, %gather3A_229 : vector<16xi1>, vector<16xi32>
        %mul3A_231 = arith.constant 8 : i32
        %mul3A_232 = arith.muli %mul3A_88, %mul3A_231 : i32
        %swap3A_233 = arith.index_cast %mul3A_232 : i32 to index
        %swap3A_234 = tpu.vector_load %arg11[%swap3A_233] {strides = array<i32>} : memref<264xi32, #tpu.memory_space<vmem>>, vector<16xi32>,
        tpu.vector_store %arg11[%swap3A_233], %select_n3A_230 {strides = array<i32>} : memref<264xi32, #tpu.memory_space<vmem>>, vector<16xi32>,
        %shift_right_logical3A_235 = arith.constant 3 : i32
        %shift_right_logical3A_236 = vector.broadcast %shift_right_logical3A_235 : i32 to vector<16xi32>
        %shift_right_logical3A_237 = arith.shrui %select_n3A_230, %shift_right_logical3A_236 : vector<16xi32>
        %mul3A_238 = arith.constant 524288 : i32
        %mul3A_239 = vector.broadcast %mul3A_238 : i32 to vector<16xi32>
        %mul3A_240 = arith.muli %shift_right_logical3A_237, %mul3A_239 : vector<16xi32>
        %add3A_241 = arith.addi %add3A_54, %mul3A_88 : i32
        %add3A_242 = vector.broadcast %add3A_241 : i32 to vector<16xi32>
        %add3A_243 = arith.addi %add3A_242, %convert_element_type3A : vector<16xi32>
        %mul3A_244 = arith.constant 8 : i32
        %mul3A_245 = vector.broadcast %mul3A_244 : i32 to vector<16xi32>
        %mul3A_246 = arith.muli %add3A_243, %mul3A_245 : vector<16xi32>
        %add3A_247 = arith.addi %mul3A_240, %mul3A_246 : vector<16xi32>
        %and3A_248 = arith.constant 7 : i32
        %and3A_249 = vector.broadcast %and3A_248 : i32 to vector<16xi32>
        %and3A_250 = arith.andi %select_n3A_230, %and3A_249 : vector<16xi32>
        %add3A_251 = arith.addi %add3A_247, %and3A_250 : vector<16xi32>
        %mul3A_252 = arith.constant 8 : i32
        %mul3A_253 = arith.muli %mul3A_88, %mul3A_252 : i32
        %dma_start3A_254 = arith.constant 0 : i32
        %dma_start3A_255 = tpu.memref_slice %arg13[%mul3A_253, %dma_start3A_254] : memref<256x16xf32, #tpu.memory_space<vmem>> -> memref<16x16xf32, #tpu.memory_space<vmem>>
        %dma_start3A_256 = arith.constant 0 : i32
        %dma_start3A_257 = arith.constant 0 : i32
        %dma_start3A_258 = tpu.memref_slice %arg3[%dma_start3A_256, %dma_start3A_257] : memref<2097152x16xf32, #tpu.memory_space<hbm>> -> memref<2097152x16xf32, #tpu.memory_space<hbm>>
        tpu.enqueue_indirect_dma source(%dma_start3A_258 : memref<2097152x16xf32, #tpu.memory_space<hbm>>) target(%dma_start3A_255 : memref<16x16xf32, #tpu.memory_space<vmem>>) offsets(%add3A_251 : vector<16xi32>) semaphore(%arg17 : memref<!tpu.dma_semaphore, #tpu.memory_space<semaphore_mem>>)
      }
      %scan3A_64 = arith.constant 16 : i32
      %dma_wait3A = arith.constant 0 : i32
      %dma_wait3A_65 = arith.constant 0 : i32
      %dma_wait3A_66 = tpu.memref_slice %arg2[%dma_wait3A, %dma_wait3A_65] : memref<2097152x16xf32, #tpu.memory_space<hbm>> -> memref<256x16xf32, #tpu.memory_space<hbm>>
      %dma_wait3A_67 = arith.constant 0 : i32
      %dma_wait3A_68 = arith.constant 0 : i32
      %dma_wait3A_69 = tpu.memref_slice %arg2[%dma_wait3A_67, %dma_wait3A_68] : memref<2097152x16xf32, #tpu.memory_space<hbm>> -> memref<256x16xf32, #tpu.memory_space<hbm>>
      tpu.wait_dma2 semaphore(%arg16 : memref<!tpu.dma_semaphore, #tpu.memory_space<semaphore_mem>>) src(%dma_wait3A_69 : memref<256x16xf32, #tpu.memory_space<hbm>>) dst(%arg12 : memref<256x16xf32, #tpu.memory_space<vmem>>)
      %dma_wait3A_70 = arith.constant 0 : i32
      %dma_wait3A_71 = arith.constant 0 : i32
      %dma_wait3A_72 = tpu.memref_slice %arg3[%dma_wait3A_70, %dma_wait3A_71] : memref<2097152x16xf32, #tpu.memory_space<hbm>> -> memref<256x16xf32, #tpu.memory_space<hbm>>
      %dma_wait3A_73 = arith.constant 0 : i32
      %dma_wait3A_74 = arith.constant 0 : i32
      %dma_wait3A_75 = tpu.memref_slice %arg3[%dma_wait3A_73, %dma_wait3A_74] : memref<2097152x16xf32, #tpu.memory_space<hbm>> -> memref<256x16xf32, #tpu.memory_space<hbm>>
      tpu.wait_dma2 semaphore(%arg17 : memref<!tpu.dma_semaphore, #tpu.memory_space<semaphore_mem>>) src(%dma_wait3A_75 : memref<256x16xf32, #tpu.memory_space<hbm>>) dst(%arg13 : memref<256x16xf32, #tpu.memory_space<vmem>>)
      %scan3A_76 = arith.constant 0 : i32
      %scan3A_77 = arith.constant 0 : i32
      %scan3A_78 = arith.constant 32 : i32
      %scan3A_79 = arith.addi %scan3A_77, %scan3A_78 : i32
      %scan3A_80 = arith.constant 1 : i32
      scf.for %scan3A_86 = %scan3A_77 to %scan3A_79 step %scan3A_80  : i32 {
        %mul3A_87 = arith.constant 8 : i32
        %mul3A_88 = arith.muli %scan3A_86, %mul3A_87 : i32
        %get3A = arith.index_cast %mul3A_88 : i32 to index
        %get3A_89 = tpu.vector_load %arg10[%get3A] {strides = array<i32>} : memref<264xi32, #tpu.memory_space<vmem>>, vector<16xi32>,
        %mul3A_90 = arith.constant 8 : i32
        %mul3A_91 = arith.muli %scan3A_86, %mul3A_90 : i32
        %add3A_92 = arith.constant 0 : i32
        %add3A_93 = arith.addi %mul3A_91, %add3A_92 : i32
        %get3A_94 = arith.index_cast %add3A_93 : i32 to index
        %get3A_95 = arith.constant 0 : index
        %get3A_96 = tpu.vector_load %arg12[%get3A_94, %get3A_95] {strides = array<i32>} : memref<256x16xf32, #tpu.memory_space<vmem>>, vector<16xf32>,
        %add3A_97 = arith.constant 0 : i32
        %add3A_98 = vector.broadcast %add3A_97 : i32 to vector<16xi32>
        %add3A_99 = arith.addi %iota3A, %add3A_98 : vector<16xi32>
        %masked_sort3A = arith.constant dense<true> : vector<16xi1>
        %masked_sort3A_100, %masked_sort3A_101, %masked_sort3A_102 = tpu.sort %get3A_96, %add3A_99 masked %masked_sort3A {descending = true} : (vector<16xf32>, vector<16xi32>, vector<16xi1>) -> (vector<16xi1>, vector<16xf32>, vector<16xi32>)
        %mul3A_103 = arith.constant 8 : i32
        %mul3A_104 = arith.muli %scan3A_86, %mul3A_103 : i32
        %add3A_105 = arith.constant 1 : i32
        %add3A_106 = arith.addi %mul3A_104, %add3A_105 : i32
        %get3A_107 = arith.index_cast %add3A_106 : i32 to index
        %get3A_108 = arith.constant 0 : index
        %get3A_109 = tpu.vector_load %arg12[%get3A_107, %get3A_108] {strides = array<i32>} : memref<256x16xf32, #tpu.memory_space<vmem>>, vector<16xf32>,
        %add3A_110 = arith.constant 16 : i32
        %add3A_111 = vector.broadcast %add3A_110 : i32 to vector<16xi32>
        %add3A_112 = arith.addi %iota3A, %add3A_111 : vector<16xi32>
        %masked_sort3A_113 = arith.constant dense<true> : vector<16xi1>
        %masked_sort3A_114, %masked_sort3A_115, %masked_sort3A_116 = tpu.sort %get3A_109, %add3A_112 masked %masked_sort3A_113 : (vector<16xf32>, vector<16xi32>, vector<16xi1>) -> (vector<16xi1>, vector<16xf32>, vector<16xi32>)
        %mul3A_117 = arith.constant 8 : i32
        %mul3A_118 = arith.muli %scan3A_86, %mul3A_117 : i32
        %add3A_119 = arith.constant 2 : i32
        %add3A_120 = arith.addi %mul3A_118, %add3A_119 : i32
        %get3A_121 = arith.index_cast %add3A_120 : i32 to index
        %get3A_122 = arith.constant 0 : index
        %get3A_123 = tpu.vector_load %arg12[%get3A_121, %get3A_122] {strides = array<i32>} : memref<256x16xf32, #tpu.memory_space<vmem>>, vector<16xf32>,
        %add3A_124 = arith.constant 32 : i32
        %add3A_125 = vector.broadcast %add3A_124 : i32 to vector<16xi32>
        %add3A_126 = arith.addi %iota3A, %add3A_125 : vector<16xi32>
        %masked_sort3A_127 = arith.constant dense<true> : vector<16xi1>
        %masked_sort3A_128, %masked_sort3A_129, %masked_sort3A_130 = tpu.sort %get3A_123, %add3A_126 masked %masked_sort3A_127 {descending = true} : (vector<16xf32>, vector<16xi32>, vector<16xi1>) -> (vector<16xi1>, vector<16xf32>, vector<16xi32>)
        %mul3A_131 = arith.constant 8 : i32
        %mul3A_132 = arith.muli %scan3A_86, %mul3A_131 : i32
        %add3A_133 = arith.constant 3 : i32
        %add3A_134 = arith.addi %mul3A_132, %add3A_133 : i32
        %get3A_135 = arith.index_cast %add3A_134 : i32 to index
        %get3A_136 = arith.constant 0 : index
        %get3A_137 = tpu.vector_load %arg12[%get3A_135, %get3A_136] {strides = array<i32>} : memref<256x16xf32, #tpu.memory_space<vmem>>, vector<16xf32>,
        %add3A_138 = arith.constant 48 : i32
        %add3A_139 = vector.broadcast %add3A_138 : i32 to vector<16xi32>
        %add3A_140 = arith.addi %iota3A, %add3A_139 : vector<16xi32>
        %masked_sort3A_141 = arith.constant dense<true> : vector<16xi1>
        %masked_sort3A_142, %masked_sort3A_143, %masked_sort3A_144 = tpu.sort %get3A_137, %add3A_140 masked %masked_sort3A_141 : (vector<16xf32>, vector<16xi32>, vector<16xi1>) -> (vector<16xi1>, vector<16xf32>, vector<16xi32>)
        %mul3A_145 = arith.constant 8 : i32
        %mul3A_146 = arith.muli %scan3A_86, %mul3A_145 : i32
        %add3A_147 = arith.constant 4 : i32
        %add3A_148 = arith.addi %mul3A_146, %add3A_147 : i32
        %get3A_149 = arith.index_cast %add3A_148 : i32 to index
        %get3A_150 = arith.constant 0 : index
        %get3A_151 = tpu.vector_load %arg12[%get3A_149, %get3A_150] {strides = array<i32>} : memref<256x16xf32, #tpu.memory_space<vmem>>, vector<16xf32>,
        %add3A_152 = arith.constant 64 : i32
        %add3A_153 = vector.broadcast %add3A_152 : i32 to vector<16xi32>
        %add3A_154 = arith.addi %iota3A, %add3A_153 : vector<16xi32>
        %masked_sort3A_155 = arith.constant dense<true> : vector<16xi1>
        %masked_sort3A_156, %masked_sort3A_157, %masked_sort3A_158 = tpu.sort %get3A_151, %add3A_154 masked %masked_sort3A_155 {descending = true} : (vector<16xf32>, vector<16xi32>, vector<16xi1>) -> (vector<16xi1>, vector<16xf32>, vector<16xi32>)
        %mul3A_159 = arith.constant 8 : i32
        %mul3A_160 = arith.muli %scan3A_86, %mul3A_159 : i32
        %add3A_161 = arith.constant 5 : i32
        %add3A_162 = arith.addi %mul3A_160, %add3A_161 : i32
        %get3A_163 = arith.index_cast %add3A_162 : i32 to index
        %get3A_164 = arith.constant 0 : index
        %get3A_165 = tpu.vector_load %arg12[%get3A_163, %get3A_164] {strides = array<i32>} : memref<256x16xf32, #tpu.memory_space<vmem>>, vector<16xf32>,
        %add3A_166 = arith.constant 80 : i32
        %add3A_167 = vector.broadcast %add3A_166 : i32 to vector<16xi32>
        %add3A_168 = arith.addi %iota3A, %add3A_167 : vector<16xi32>
        %masked_sort3A_169 = arith.constant dense<true> : vector<16xi1>
        %masked_sort3A_170, %masked_sort3A_171, %masked_sort3A_172 = tpu.sort %get3A_165, %add3A_168 masked %masked_sort3A_169 : (vector<16xf32>, vector<16xi32>, vector<16xi1>) -> (vector<16xi1>, vector<16xf32>, vector<16xi32>)
        %mul3A_173 = arith.constant 8 : i32
        %mul3A_174 = arith.muli %scan3A_86, %mul3A_173 : i32
        %add3A_175 = arith.constant 6 : i32
        %add3A_176 = arith.addi %mul3A_174, %add3A_175 : i32
        %get3A_177 = arith.index_cast %add3A_176 : i32 to index
        %get3A_178 = arith.constant 0 : index
        %get3A_179 = tpu.vector_load %arg12[%get3A_177, %get3A_178] {strides = array<i32>} : memref<256x16xf32, #tpu.memory_space<vmem>>, vector<16xf32>,
        %add3A_180 = arith.constant 96 : i32
        %add3A_181 = vector.broadcast %add3A_180 : i32 to vector<16xi32>
        %add3A_182 = arith.addi %iota3A, %add3A_181 : vector<16xi32>
        %masked_sort3A_183 = arith.constant dense<true> : vector<16xi1>
        %masked_sort3A_184, %masked_sort3A_185, %masked_sort3A_186 = tpu.sort %get3A_179, %add3A_182 masked %masked_sort3A_183 {descending = true} : (vector<16xf32>, vector<16xi32>, vector<16xi1>) -> (vector<16xi1>, vector<16xf32>, vector<16xi32>)
        %mul3A_187 = arith.constant 8 : i32
        %mul3A_188 = arith.muli %scan3A_86, %mul3A_187 : i32
        %add3A_189 = arith.constant 7 : i32
        %add3A_190 = arith.addi %mul3A_188, %add3A_189 : i32
        %get3A_191 = arith.index_cast %add3A_190 : i32 to index
        %get3A_192 = arith.constant 0 : index
        %get3A_193 = tpu.vector_load %arg12[%get3A_191, %get3A_192] {strides = array<i32>} : memref<256x16xf32, #tpu.memory_space<vmem>>, vector<16xf32>,
        %add3A_194 = arith.constant 112 : i32
        %add3A_195 = vector.broadcast %add3A_194 : i32 to vector<16xi32>
        %add3A_196 = arith.addi %iota3A, %add3A_195 : vector<16xi32>
        %masked_sort3A_197 = arith.constant dense<true> : vector<16xi1>
        %masked_sort3A_198, %masked_sort3A_199, %masked_sort3A_200 = tpu.sort %get3A_193, %add3A_196 masked %masked_sort3A_197 : (vector<16xf32>, vector<16xi32>, vector<16xi1>) -> (vector<16xi1>, vector<16xf32>, vector<16xi32>)
        %ge3A_201 = arith.cmpf oge, %masked_sort3A_101, %masked_sort3A_115 : vector<16xf32>
        %select_n3A_202 = arith.select %ge3A_201, %masked_sort3A_101, %masked_sort3A_115 : vector<16xi1>, vector<16xf32>
        %select_n3A_203 = arith.select %ge3A_201, %masked_sort3A_102, %masked_sort3A_116 : vector<16xi1>, vector<16xi32>
        %masked_sort3A_204 = arith.constant dense<true> : vector<16xi1>
        %masked_sort3A_205, %masked_sort3A_206, %masked_sort3A_207 = tpu.sort %select_n3A_202, %select_n3A_203 masked %masked_sort3A_204 {descending = true} : (vector<16xf32>, vector<16xi32>, vector<16xi1>) -> (vector<16xi1>, vector<16xf32>, vector<16xi32>)
        %ge3A_208 = arith.cmpf oge, %masked_sort3A_129, %masked_sort3A_143 : vector<16xf32>
        %select_n3A_209 = arith.select %ge3A_208, %masked_sort3A_129, %masked_sort3A_143 : vector<16xi1>, vector<16xf32>
        %select_n3A_210 = arith.select %ge3A_208, %masked_sort3A_130, %masked_sort3A_144 : vector<16xi1>, vector<16xi32>
        %masked_sort3A_211 = arith.constant dense<true> : vector<16xi1>
        %masked_sort3A_212, %masked_sort3A_213, %masked_sort3A_214 = tpu.sort %select_n3A_209, %select_n3A_210 masked %masked_sort3A_211 : (vector<16xf32>, vector<16xi32>, vector<16xi1>) -> (vector<16xi1>, vector<16xf32>, vector<16xi32>)
        %ge3A_215 = arith.cmpf oge, %masked_sort3A_157, %masked_sort3A_171 : vector<16xf32>
        %select_n3A_216 = arith.select %ge3A_215, %masked_sort3A_157, %masked_sort3A_171 : vector<16xi1>, vector<16xf32>
        %select_n3A_217 = arith.select %ge3A_215, %masked_sort3A_158, %masked_sort3A_172 : vector<16xi1>, vector<16xi32>
        %masked_sort3A_218 = arith.constant dense<true> : vector<16xi1>
        %masked_sort3A_219, %masked_sort3A_220, %masked_sort3A_221 = tpu.sort %select_n3A_216, %select_n3A_217 masked %masked_sort3A_218 {descending = true} : (vector<16xf32>, vector<16xi32>, vector<16xi1>) -> (vector<16xi1>, vector<16xf32>, vector<16xi32>)
        %ge3A_222 = arith.cmpf oge, %masked_sort3A_185, %masked_sort3A_199 : vector<16xf32>
        %select_n3A_223 = arith.select %ge3A_222, %masked_sort3A_185, %masked_sort3A_199 : vector<16xi1>, vector<16xf32>
        %select_n3A_224 = arith.select %ge3A_222, %masked_sort3A_186, %masked_sort3A_200 : vector<16xi1>, vector<16xi32>
        %masked_sort3A_225 = arith.constant dense<true> : vector<16xi1>
        %masked_sort3A_226, %masked_sort3A_227, %masked_sort3A_228 = tpu.sort %select_n3A_223, %select_n3A_224 masked %masked_sort3A_225 : (vector<16xf32>, vector<16xi32>, vector<16xi1>) -> (vector<16xi1>, vector<16xf32>, vector<16xi32>)
        %ge3A_229 = arith.cmpf oge, %masked_sort3A_206, %masked_sort3A_213 : vector<16xf32>
        %select_n3A_230 = arith.select %ge3A_229, %masked_sort3A_206, %masked_sort3A_213 : vector<16xi1>, vector<16xf32>
        %select_n3A_231 = arith.select %ge3A_229, %masked_sort3A_207, %masked_sort3A_214 : vector<16xi1>, vector<16xi32>
        %masked_sort3A_232 = arith.constant dense<true> : vector<16xi1>
        %masked_sort3A_233, %masked_sort3A_234, %masked_sort3A_235 = tpu.sort %select_n3A_230, %select_n3A_231 masked %masked_sort3A_232 {descending = true} : (vector<16xf32>, vector<16xi32>, vector<16xi1>) -> (vector<16xi1>, vector<16xf32>, vector<16xi32>)
        %ge3A_236 = arith.cmpf oge, %masked_sort3A_220, %masked_sort3A_227 : vector<16xf32>
        %select_n3A_237 = arith.select %ge3A_236, %masked_sort3A_220, %masked_sort3A_227 : vector<16xi1>, vector<16xf32>
        %select_n3A_238 = arith.select %ge3A_236, %masked_sort3A_221, %masked_sort3A_228 : vector<16xi1>, vector<16xi32>
        %masked_sort3A_239 = arith.constant dense<true> : vector<16xi1>
        %masked_sort3A_240, %masked_sort3A_241, %masked_sort3A_242 = tpu.sort %select_n3A_237, %select_n3A_238 masked %masked_sort3A_239 : (vector<16xf32>, vector<16xi32>, vector<16xi1>) -> (vector<16xi1>, vector<16xf32>, vector<16xi32>)
        %ge3A_243 = arith.cmpf oge, %masked_sort3A_234, %masked_sort3A_241 : vector<16xf32>
        %select_n3A_244 = arith.select %ge3A_243, %masked_sort3A_234, %masked_sort3A_241 : vector<16xi1>, vector<16xf32>
        %select_n3A_245 = arith.select %ge3A_243, %masked_sort3A_235, %masked_sort3A_242 : vector<16xi1>, vector<16xi32>
        %masked_sort3A_246 = arith.constant dense<true> : vector<16xi1>
        %masked_sort3A_247, %masked_sort3A_248, %masked_sort3A_249 = tpu.sort %select_n3A_244, %select_n3A_245 masked %masked_sort3A_246 {descending = true} : (vector<16xf32>, vector<16xi32>, vector<16xi1>) -> (vector<16xi1>, vector<16xf32>, vector<16xi32>)
        %shift_right_logical3A = arith.constant 4 : i32
        %shift_right_logical3A_250 = vector.broadcast %shift_right_logical3A : i32 to vector<16xi32>
        %shift_right_logical3A_251 = arith.shrui %masked_sort3A_249, %shift_right_logical3A_250 : vector<16xi32>
        %reshape3A = vector.shape_cast %shift_right_logical3A_251 : vector<16xi32> to vector<16x1xi32>
        %gather3A = vector.shape_cast %reshape3A : vector<16x1xi32> to vector<16xi32>
        %gather3A_252 = tpu.dynamic_gather %get3A_89[%gather3A] in [0] : vector<16xi32>, vector<16xi32> -> vector<16xi32>
        %mul3A_253 = arith.constant 16 : i32
        %mul3A_254 = vector.broadcast %mul3A_253 : i32 to vector<16xi32>
        %mul3A_255 = arith.muli %gather3A_252, %mul3A_254 : vector<16xi32>
        %and3A = arith.constant 15 : i32
        %and3A_256 = vector.broadcast %and3A : i32 to vector<16xi32>
        %and3A_257 = arith.andi %masked_sort3A_249, %and3A_256 : vector<16xi32>
        %add3A_258 = arith.addi %mul3A_255, %and3A_257 : vector<16xi32>
        %mul3A_259 = arith.constant 8 : i32
        %mul3A_260 = arith.muli %scan3A_86, %mul3A_259 : i32
        %get3A_261 = arith.index_cast %mul3A_260 : i32 to index
        %get3A_262 = tpu.vector_load %arg11[%get3A_261] {strides = array<i32>} : memref<264xi32, #tpu.memory_space<vmem>>, vector<16xi32>,
        %mul3A_263 = arith.constant 8 : i32
        %mul3A_264 = arith.muli %scan3A_86, %mul3A_263 : i32
        %add3A_265 = arith.constant 0 : i32
        %add3A_266 = arith.addi %mul3A_264, %add3A_265 : i32
        %get3A_267 = arith.index_cast %add3A_266 : i32 to index
        %get3A_268 = arith.constant 0 : index
        %get3A_269 = tpu.vector_load %arg13[%get3A_267, %get3A_268] {strides = array<i32>} : memref<256x16xf32, #tpu.memory_space<vmem>>, vector<16xf32>,
        %add3A_270 = arith.constant 0 : i32
        %add3A_271 = vector.broadcast %add3A_270 : i32 to vector<16xi32>
        %add3A_272 = arith.addi %iota3A, %add3A_271 : vector<16xi32>
        %masked_sort3A_273 = arith.constant dense<true> : vector<16xi1>
        %masked_sort3A_274, %masked_sort3A_275, %masked_sort3A_276 = tpu.sort %get3A_269, %add3A_272 masked %masked_sort3A_273 {descending = true} : (vector<16xf32>, vector<16xi32>, vector<16xi1>) -> (vector<16xi1>, vector<16xf32>, vector<16xi32>)
        %mul3A_277 = arith.constant 8 : i32
        %mul3A_278 = arith.muli %scan3A_86, %mul3A_277 : i32
        %add3A_279 = arith.constant 1 : i32
        %add3A_280 = arith.addi %mul3A_278, %add3A_279 : i32
        %get3A_281 = arith.index_cast %add3A_280 : i32 to index
        %get3A_282 = arith.constant 0 : index
        %get3A_283 = tpu.vector_load %arg13[%get3A_281, %get3A_282] {strides = array<i32>} : memref<256x16xf32, #tpu.memory_space<vmem>>, vector<16xf32>,
        %add3A_284 = arith.constant 16 : i32
        %add3A_285 = vector.broadcast %add3A_284 : i32 to vector<16xi32>
        %add3A_286 = arith.addi %iota3A, %add3A_285 : vector<16xi32>
        %masked_sort3A_287 = arith.constant dense<true> : vector<16xi1>
        %masked_sort3A_288, %masked_sort3A_289, %masked_sort3A_290 = tpu.sort %get3A_283, %add3A_286 masked %masked_sort3A_287 : (vector<16xf32>, vector<16xi32>, vector<16xi1>) -> (vector<16xi1>, vector<16xf32>, vector<16xi32>)
        %mul3A_291 = arith.constant 8 : i32
        %mul3A_292 = arith.muli %scan3A_86, %mul3A_291 : i32
        %add3A_293 = arith.constant 2 : i32
        %add3A_294 = arith.addi %mul3A_292, %add3A_293 : i32
        %get3A_295 = arith.index_cast %add3A_294 : i32 to index
        %get3A_296 = arith.constant 0 : index
        %get3A_297 = tpu.vector_load %arg13[%get3A_295, %get3A_296] {strides = array<i32>} : memref<256x16xf32, #tpu.memory_space<vmem>>, vector<16xf32>,
        %add3A_298 = arith.constant 32 : i32
        %add3A_299 = vector.broadcast %add3A_298 : i32 to vector<16xi32>
        %add3A_300 = arith.addi %iota3A, %add3A_299 : vector<16xi32>
        %masked_sort3A_301 = arith.constant dense<true> : vector<16xi1>
        %masked_sort3A_302, %masked_sort3A_303, %masked_sort3A_304 = tpu.sort %get3A_297, %add3A_300 masked %masked_sort3A_301 {descending = true} : (vector<16xf32>, vector<16xi32>, vector<16xi1>) -> (vector<16xi1>, vector<16xf32>, vector<16xi32>)
        %mul3A_305 = arith.constant 8 : i32
        %mul3A_306 = arith.muli %scan3A_86, %mul3A_305 : i32
        %add3A_307 = arith.constant 3 : i32
        %add3A_308 = arith.addi %mul3A_306, %add3A_307 : i32
        %get3A_309 = arith.index_cast %add3A_308 : i32 to index
        %get3A_310 = arith.constant 0 : index
        %get3A_311 = tpu.vector_load %arg13[%get3A_309, %get3A_310] {strides = array<i32>} : memref<256x16xf32, #tpu.memory_space<vmem>>, vector<16xf32>,
        %add3A_312 = arith.constant 48 : i32
        %add3A_313 = vector.broadcast %add3A_312 : i32 to vector<16xi32>
        %add3A_314 = arith.addi %iota3A, %add3A_313 : vector<16xi32>
        %masked_sort3A_315 = arith.constant dense<true> : vector<16xi1>
        %masked_sort3A_316, %masked_sort3A_317, %masked_sort3A_318 = tpu.sort %get3A_311, %add3A_314 masked %masked_sort3A_315 : (vector<16xf32>, vector<16xi32>, vector<16xi1>) -> (vector<16xi1>, vector<16xf32>, vector<16xi32>)
        %mul3A_319 = arith.constant 8 : i32
        %mul3A_320 = arith.muli %scan3A_86, %mul3A_319 : i32
        %add3A_321 = arith.constant 4 : i32
        %add3A_322 = arith.addi %mul3A_320, %add3A_321 : i32
        %get3A_323 = arith.index_cast %add3A_322 : i32 to index
        %get3A_324 = arith.constant 0 : index
        %get3A_325 = tpu.vector_load %arg13[%get3A_323, %get3A_324] {strides = array<i32>} : memref<256x16xf32, #tpu.memory_space<vmem>>, vector<16xf32>,
        %add3A_326 = arith.constant 64 : i32
        %add3A_327 = vector.broadcast %add3A_326 : i32 to vector<16xi32>
        %add3A_328 = arith.addi %iota3A, %add3A_327 : vector<16xi32>
        %masked_sort3A_329 = arith.constant dense<true> : vector<16xi1>
        %masked_sort3A_330, %masked_sort3A_331, %masked_sort3A_332 = tpu.sort %get3A_325, %add3A_328 masked %masked_sort3A_329 {descending = true} : (vector<16xf32>, vector<16xi32>, vector<16xi1>) -> (vector<16xi1>, vector<16xf32>, vector<16xi32>)
        %mul3A_333 = arith.constant 8 : i32
        %mul3A_334 = arith.muli %scan3A_86, %mul3A_333 : i32
        %add3A_335 = arith.constant 5 : i32
        %add3A_336 = arith.addi %mul3A_334, %add3A_335 : i32
        %get3A_337 = arith.index_cast %add3A_336 : i32 to index
        %get3A_338 = arith.constant 0 : index
        %get3A_339 = tpu.vector_load %arg13[%get3A_337, %get3A_338] {strides = array<i32>} : memref<256x16xf32, #tpu.memory_space<vmem>>, vector<16xf32>,
        %add3A_340 = arith.constant 80 : i32
        %add3A_341 = vector.broadcast %add3A_340 : i32 to vector<16xi32>
        %add3A_342 = arith.addi %iota3A, %add3A_341 : vector<16xi32>
        %masked_sort3A_343 = arith.constant dense<true> : vector<16xi1>
        %masked_sort3A_344, %masked_sort3A_345, %masked_sort3A_346 = tpu.sort %get3A_339, %add3A_342 masked %masked_sort3A_343 : (vector<16xf32>, vector<16xi32>, vector<16xi1>) -> (vector<16xi1>, vector<16xf32>, vector<16xi32>)
        %mul3A_347 = arith.constant 8 : i32
        %mul3A_348 = arith.muli %scan3A_86, %mul3A_347 : i32
        %add3A_349 = arith.constant 6 : i32
        %add3A_350 = arith.addi %mul3A_348, %add3A_349 : i32
        %get3A_351 = arith.index_cast %add3A_350 : i32 to index
        %get3A_352 = arith.constant 0 : index
        %get3A_353 = tpu.vector_load %arg13[%get3A_351, %get3A_352] {strides = array<i32>} : memref<256x16xf32, #tpu.memory_space<vmem>>, vector<16xf32>,
        %add3A_354 = arith.constant 96 : i32
        %add3A_355 = vector.broadcast %add3A_354 : i32 to vector<16xi32>
        %add3A_356 = arith.addi %iota3A, %add3A_355 : vector<16xi32>
        %masked_sort3A_357 = arith.constant dense<true> : vector<16xi1>
        %masked_sort3A_358, %masked_sort3A_359, %masked_sort3A_360 = tpu.sort %get3A_353, %add3A_356 masked %masked_sort3A_357 {descending = true} : (vector<16xf32>, vector<16xi32>, vector<16xi1>) -> (vector<16xi1>, vector<16xf32>, vector<16xi32>)
        %mul3A_361 = arith.constant 8 : i32
        %mul3A_362 = arith.muli %scan3A_86, %mul3A_361 : i32
        %add3A_363 = arith.constant 7 : i32
        %add3A_364 = arith.addi %mul3A_362, %add3A_363 : i32
        %get3A_365 = arith.index_cast %add3A_364 : i32 to index
        %get3A_366 = arith.constant 0 : index
        %get3A_367 = tpu.vector_load %arg13[%get3A_365, %get3A_366] {strides = array<i32>} : memref<256x16xf32, #tpu.memory_space<vmem>>, vector<16xf32>,
        %add3A_368 = arith.constant 112 : i32
        %add3A_369 = vector.broadcast %add3A_368 : i32 to vector<16xi32>
        %add3A_370 = arith.addi %iota3A, %add3A_369 : vector<16xi32>
        %masked_sort3A_371 = arith.constant dense<true> : vector<16xi1>
        %masked_sort3A_372, %masked_sort3A_373, %masked_sort3A_374 = tpu.sort %get3A_367, %add3A_370 masked %masked_sort3A_371 : (vector<16xf32>, vector<16xi32>, vector<16xi1>) -> (vector<16xi1>, vector<16xf32>, vector<16xi32>)
        %ge3A_375 = arith.cmpf oge, %masked_sort3A_275, %masked_sort3A_289 : vector<16xf32>
        %select_n3A_376 = arith.select %ge3A_375, %masked_sort3A_275, %masked_sort3A_289 : vector<16xi1>, vector<16xf32>
        %select_n3A_377 = arith.select %ge3A_375, %masked_sort3A_276, %masked_sort3A_290 : vector<16xi1>, vector<16xi32>
        %masked_sort3A_378 = arith.constant dense<true> : vector<16xi1>
        %masked_sort3A_379, %masked_sort3A_380, %masked_sort3A_381 = tpu.sort %select_n3A_376, %select_n3A_377 masked %masked_sort3A_378 {descending = true} : (vector<16xf32>, vector<16xi32>, vector<16xi1>) -> (vector<16xi1>, vector<16xf32>, vector<16xi32>)
        %ge3A_382 = arith.cmpf oge, %masked_sort3A_303, %masked_sort3A_317 : vector<16xf32>
        %select_n3A_383 = arith.select %ge3A_382, %masked_sort3A_303, %masked_sort3A_317 : vector<16xi1>, vector<16xf32>
        %select_n3A_384 = arith.select %ge3A_382, %masked_sort3A_304, %masked_sort3A_318 : vector<16xi1>, vector<16xi32>
        %masked_sort3A_385 = arith.constant dense<true> : vector<16xi1>
        %masked_sort3A_386, %masked_sort3A_387, %masked_sort3A_388 = tpu.sort %select_n3A_383, %select_n3A_384 masked %masked_sort3A_385 : (vector<16xf32>, vector<16xi32>, vector<16xi1>) -> (vector<16xi1>, vector<16xf32>, vector<16xi32>)
        %ge3A_389 = arith.cmpf oge, %masked_sort3A_331, %masked_sort3A_345 : vector<16xf32>
        %select_n3A_390 = arith.select %ge3A_389, %masked_sort3A_331, %masked_sort3A_345 : vector<16xi1>, vector<16xf32>
        %select_n3A_391 = arith.select %ge3A_389, %masked_sort3A_332, %masked_sort3A_346 : vector<16xi1>, vector<16xi32>
        %masked_sort3A_392 = arith.constant dense<true> : vector<16xi1>
        %masked_sort3A_393, %masked_sort3A_394, %masked_sort3A_395 = tpu.sort %select_n3A_390, %select_n3A_391 masked %masked_sort3A_392 {descending = true} : (vector<16xf32>, vector<16xi32>, vector<16xi1>) -> (vector<16xi1>, vector<16xf32>, vector<16xi32>)
        %ge3A_396 = arith.cmpf oge, %masked_sort3A_359, %masked_sort3A_373 : vector<16xf32>
        %select_n3A_397 = arith.select %ge3A_396, %masked_sort3A_359, %masked_sort3A_373 : vector<16xi1>, vector<16xf32>
        %select_n3A_398 = arith.select %ge3A_396, %masked_sort3A_360, %masked_sort3A_374 : vector<16xi1>, vector<16xi32>
        %masked_sort3A_399 = arith.constant dense<true> : vector<16xi1>
        %masked_sort3A_400, %masked_sort3A_401, %masked_sort3A_402 = tpu.sort %select_n3A_397, %select_n3A_398 masked %masked_sort3A_399 : (vector<16xf32>, vector<16xi32>, vector<16xi1>) -> (vector<16xi1>, vector<16xf32>, vector<16xi32>)
        %ge3A_403 = arith.cmpf oge, %masked_sort3A_380, %masked_sort3A_387 : vector<16xf32>
        %select_n3A_404 = arith.select %ge3A_403, %masked_sort3A_380, %masked_sort3A_387 : vector<16xi1>, vector<16xf32>
        %select_n3A_405 = arith.select %ge3A_403, %masked_sort3A_381, %masked_sort3A_388 : vector<16xi1>, vector<16xi32>
        %masked_sort3A_406 = arith.constant dense<true> : vector<16xi1>
        %masked_sort3A_407, %masked_sort3A_408, %masked_sort3A_409 = tpu.sort %select_n3A_404, %select_n3A_405 masked %masked_sort3A_406 {descending = true} : (vector<16xf32>, vector<16xi32>, vector<16xi1>) -> (vector<16xi1>, vector<16xf32>, vector<16xi32>)
        %ge3A_410 = arith.cmpf oge, %masked_sort3A_394, %masked_sort3A_401 : vector<16xf32>
        %select_n3A_411 = arith.select %ge3A_410, %masked_sort3A_394, %masked_sort3A_401 : vector<16xi1>, vector<16xf32>
        %select_n3A_412 = arith.select %ge3A_410, %masked_sort3A_395, %masked_sort3A_402 : vector<16xi1>, vector<16xi32>
        %masked_sort3A_413 = arith.constant dense<true> : vector<16xi1>
        %masked_sort3A_414, %masked_sort3A_415, %masked_sort3A_416 = tpu.sort %select_n3A_411, %select_n3A_412 masked %masked_sort3A_413 : (vector<16xf32>, vector<16xi32>, vector<16xi1>) -> (vector<16xi1>, vector<16xf32>, vector<16xi32>)
        %ge3A_417 = arith.cmpf oge, %masked_sort3A_408, %masked_sort3A_415 : vector<16xf32>
        %select_n3A_418 = arith.select %ge3A_417, %masked_sort3A_408, %masked_sort3A_415 : vector<16xi1>, vector<16xf32>
        %select_n3A_419 = arith.select %ge3A_417, %masked_sort3A_409, %masked_sort3A_416 : vector<16xi1>, vector<16xi32>
        %masked_sort3A_420 = arith.constant dense<true> : vector<16xi1>
        %masked_sort3A_421, %masked_sort3A_422, %masked_sort3A_423 = tpu.sort %select_n3A_418, %select_n3A_419 masked %masked_sort3A_420 {descending = true} : (vector<16xf32>, vector<16xi32>, vector<16xi1>) -> (vector<16xi1>, vector<16xf32>, vector<16xi32>)
        %shift_right_logical3A_424 = arith.constant 4 : i32
        %shift_right_logical3A_425 = vector.broadcast %shift_right_logical3A_424 : i32 to vector<16xi32>
        %shift_right_logical3A_426 = arith.shrui %masked_sort3A_423, %shift_right_logical3A_425 : vector<16xi32>
        %reshape3A_427 = vector.shape_cast %shift_right_logical3A_426 : vector<16xi32> to vector<16x1xi32>
        %gather3A_428 = vector.shape_cast %reshape3A_427 : vector<16x1xi32> to vector<16xi32>
        %gather3A_429 = tpu.dynamic_gather %get3A_262[%gather3A_428] in [0] : vector<16xi32>, vector<16xi32> -> vector<16xi32>
        %mul3A_430 = arith.constant 16 : i32
        %mul3A_431 = vector.broadcast %mul3A_430 : i32 to vector<16xi32>
        %mul3A_432 = arith.muli %gather3A_429, %mul3A_431 : vector<16xi32>
        %and3A_433 = arith.constant 15 : i32
        %and3A_434 = vector.broadcast %and3A_433 : i32 to vector<16xi32>
        %and3A_435 = arith.andi %masked_sort3A_423, %and3A_434 : vector<16xi32>
        %add3A_436 = arith.addi %mul3A_432, %and3A_435 : vector<16xi32>
        %reshape3A_437 = vector.shape_cast %add3A_18 : vector<16xi32> to vector<16x1xi32>
        %gather3A_438 = vector.shape_cast %reshape3A_437 : vector<16x1xi32> to vector<16xi32>
        %gather3A_439 = tpu.dynamic_gather %masked_sort3A_248[%gather3A_438] in [0] : vector<16xf32>, vector<16xi32> -> vector<16xf32>
        %reshape3A_440 = vector.shape_cast %sub3A_30 : vector<16xi32> to vector<16x1xi32>
        %gather3A_441 = vector.shape_cast %reshape3A_440 : vector<16x1xi32> to vector<16xi32>
        %gather3A_442 = tpu.dynamic_gather %masked_sort3A_422[%gather3A_441] in [0] : vector<16xf32>, vector<16xi32> -> vector<16xf32>
        %add3A_443 = arith.addf %gather3A_439, %gather3A_442 : vector<16xf32>
        %reshape3A_444 = vector.shape_cast %select_n3A : vector<16xi32> to vector<16x1xi32>
        %gather3A_445 = vector.shape_cast %reshape3A_444 : vector<16x1xi32> to vector<16xi32>
        %gather3A_446 = tpu.dynamic_gather %masked_sort3A_248[%gather3A_445] in [0] : vector<16xf32>, vector<16xi32> -> vector<16xf32>
        %reshape3A_447 = vector.shape_cast %mul3A_42 : vector<16xi32> to vector<16x1xi32>
        %gather3A_448 = vector.shape_cast %reshape3A_447 : vector<16x1xi32> to vector<16xi32>
        %gather3A_449 = tpu.dynamic_gather %masked_sort3A_422[%gather3A_448] in [0] : vector<16xf32>, vector<16xi32> -> vector<16xf32>
        %add3A_450 = arith.addf %gather3A_446, %gather3A_449 : vector<16xf32>
        %lt3A_451 = arith.constant 4 : i32
        %lt3A_452 = vector.broadcast %lt3A_451 : i32 to vector<16xi32>
        %lt3A_453 = arith.cmpi slt, %iota3A, %lt3A_452 : vector<16xi32>
        %jit3A_454 = arith.constant 0xFF800000 : f32
        %broadcast_in_dim3A_455 = vector.broadcast %jit3A_454 : f32 to vector<16xf32>
        %select_n3A_456 = arith.select %lt3A_453, %add3A_450, %broadcast_in_dim3A_455 : vector<16xi1>, vector<16xf32>
        %masked_sort3A_457 = arith.constant dense<true> : vector<16xi1>
        %masked_sort3A_458, %masked_sort3A_459, %masked_sort3A_460 = tpu.sort %add3A_443, %add3A_34 masked %masked_sort3A_457 {descending = true} : (vector<16xf32>, vector<16xi32>, vector<16xi1>) -> (vector<16xi1>, vector<16xf32>, vector<16xi32>)
        %rev3A = arith.constant 15 : i32
        %rev3A_461 = vector.broadcast %rev3A : i32 to vector<16xi32>
        %rev3A_462 = tpu.iota {dimensions = array<i32: 0>} : vector<16xi32>
        %rev3A_463 = arith.subi %rev3A_461, %rev3A_462 : vector<16xi32>
        %rev3A_464 = tpu.dynamic_gather %select_n3A_456[%rev3A_463] in [0] : vector<16xf32>, vector<16xi32> -> vector<16xf32>
        %rev3A_465 = arith.constant 15 : i32
        %rev3A_466 = vector.broadcast %rev3A_465 : i32 to vector<16xi32>
        %rev3A_467 = tpu.iota {dimensions = array<i32: 0>} : vector<16xi32>
        %rev3A_468 = arith.subi %rev3A_466, %rev3A_467 : vector<16xi32>
        %rev3A_469 = tpu.dynamic_gather %mul3A_45[%rev3A_468] in [0] : vector<16xi32>, vector<16xi32> -> vector<16xi32>
        %ge3A_470 = arith.cmpf oge, %masked_sort3A_459, %rev3A_464 : vector<16xf32>
        %select_n3A_471 = arith.select %ge3A_470, %masked_sort3A_459, %rev3A_464 : vector<16xi1>, vector<16xf32>
        %select_n3A_472 = arith.select %ge3A_470, %masked_sort3A_460, %rev3A_469 : vector<16xi1>, vector<16xi32>
        %masked_sort3A_473 = arith.constant dense<true> : vector<16xi1>
        %masked_sort3A_474, %masked_sort3A_475, %masked_sort3A_476 = tpu.sort %select_n3A_471, %select_n3A_472 masked %masked_sort3A_473 {descending = true} : (vector<16xf32>, vector<16xi32>, vector<16xi1>) -> (vector<16xi1>, vector<16xf32>, vector<16xi32>)
        %shift_right_logical3A_477 = arith.constant 3 : i32
        %shift_right_logical3A_478 = vector.broadcast %shift_right_logical3A_477 : i32 to vector<16xi32>
        %shift_right_logical3A_479 = arith.shrui %masked_sort3A_476, %shift_right_logical3A_478 : vector<16xi32>
        %and3A_480 = arith.constant 7 : i32
        %and3A_481 = vector.broadcast %and3A_480 : i32 to vector<16xi32>
        %and3A_482 = arith.andi %masked_sort3A_476, %and3A_481 : vector<16xi32>
        %reshape3A_483 = vector.shape_cast %shift_right_logical3A_479 : vector<16xi32> to vector<16x1xi32>
        %gather3A_484 = vector.shape_cast %reshape3A_483 : vector<16x1xi32> to vector<16xi32>
        %gather3A_485 = tpu.dynamic_gather %add3A_258[%gather3A_484] in [0] : vector<16xi32>, vector<16xi32> -> vector<16xi32>
        %reshape3A_486 = vector.shape_cast %and3A_482 : vector<16xi32> to vector<16x1xi32>
        %gather3A_487 = vector.shape_cast %reshape3A_486 : vector<16x1xi32> to vector<16xi32>
        %gather3A_488 = tpu.dynamic_gather %add3A_436[%gather3A_487] in [0] : vector<16xi32>, vector<16xi32> -> vector<16xi32>
        %mul3A_489 = arith.constant 512 : i32
        %mul3A_490 = vector.broadcast %mul3A_489 : i32 to vector<16xi32>
        %mul3A_491 = arith.muli %gather3A_485, %mul3A_490 : vector<16xi32>
        %add3A_492 = arith.addi %mul3A_491, %gather3A_488 : vector<16xi32>
        %mul3A_493 = arith.constant 8 : i32
        %mul3A_494 = arith.muli %scan3A_86, %mul3A_493 : i32
        %swap3A = arith.index_cast %mul3A_494 : i32 to index
        %swap3A_495 = tpu.vector_load %arg14[%swap3A] {strides = array<i32>} : memref<264xi32, #tpu.memory_space<vmem>>, vector<16xi32>,
        tpu.vector_store %arg14[%swap3A], %add3A_492 {strides = array<i32>} : memref<264xi32, #tpu.memory_space<vmem>>, vector<16xi32>,
        %mul3A_496 = arith.constant 8 : i32
        %mul3A_497 = arith.muli %scan3A_86, %mul3A_496 : i32
        %swap3A_498 = arith.index_cast %mul3A_497 : i32 to index
        %swap3A_499 = tpu.vector_load %arg15[%swap3A_498] {strides = array<i32>} : memref<264xf32, #tpu.memory_space<vmem>>, vector<16xf32>,
        tpu.vector_store %arg15[%swap3A_498], %masked_sort3A_475 {strides = array<i32>} : memref<264xf32, #tpu.memory_space<vmem>>, vector<16xf32>,
      }
      %scan3A_81 = arith.constant 32 : i32
      %mul3A_82 = arith.constant 8 : i32
      %mul3A_83 = arith.muli %add3A_54, %mul3A_82 : i32
      "tpu.region"() ({
        %run_scoped3A = tpu.sem_alloc : memref<!tpu.dma_semaphore, #tpu.memory_space<semaphore_mem>>
        %dma_start3A = arith.constant 0 : i32
        %dma_start3A_86 = tpu.memref_slice %arg14[%dma_start3A] : memref<264xi32, #tpu.memory_space<vmem>> -> memref<256xi32, #tpu.memory_space<vmem>>
        %dma_start3A_87 = tpu.memref_slice %arg6[%mul3A_83] : memref<524288xi32, #tpu.memory_space<hbm>> -> memref<256xi32, #tpu.memory_space<hbm>>
        %dma_start3A_88 = tpu.memref_slice %arg6[%mul3A_83] : memref<524288xi32, #tpu.memory_space<hbm>> -> memref<256xi32, #tpu.memory_space<hbm>>
        %dma_start3A_89 = arith.constant 0 : i32
        %dma_start3A_90 = tpu.memref_slice %arg14[%dma_start3A_89] : memref<264xi32, #tpu.memory_space<vmem>> -> memref<256xi32, #tpu.memory_space<vmem>>
        tpu.enqueue_dma source(%dma_start3A_90 : memref<256xi32, #tpu.memory_space<vmem>>) target(%dma_start3A_88 : memref<256xi32, #tpu.memory_space<hbm>>) target_semaphore(%run_scoped3A : memref<!tpu.dma_semaphore, #tpu.memory_space<semaphore_mem>>)
        %dma_wait3A_91 = arith.constant 0 : i32
        %dma_wait3A_92 = tpu.memref_slice %arg14[%dma_wait3A_91] : memref<264xi32, #tpu.memory_space<vmem>> -> memref<256xi32, #tpu.memory_space<vmem>>
        %dma_wait3A_93 = tpu.memref_slice %arg6[%mul3A_83] : memref<524288xi32, #tpu.memory_space<hbm>> -> memref<256xi32, #tpu.memory_space<hbm>>
        %dma_wait3A_94 = tpu.memref_slice %arg6[%mul3A_83] : memref<524288xi32, #tpu.memory_space<hbm>> -> memref<256xi32, #tpu.memory_space<hbm>>
        %dma_wait3A_95 = arith.constant 0 : i32
        %dma_wait3A_96 = tpu.memref_slice %arg14[%dma_wait3A_95] : memref<264xi32, #tpu.memory_space<vmem>> -> memref<256xi32, #tpu.memory_space<vmem>>
        tpu.wait_dma2 semaphore(%run_scoped3A : memref<!tpu.dma_semaphore, #tpu.memory_space<semaphore_mem>>) src(%dma_wait3A_96 : memref<256xi32, #tpu.memory_space<vmem>>) dst(%dma_wait3A_94 : memref<256xi32, #tpu.memory_space<hbm>>)
        tpu.yield
      }) : () -> ()
      %mul3A_84 = arith.constant 8 : i32
      %mul3A_85 = arith.muli %add3A_54, %mul3A_84 : i32
      "tpu.region"() ({
        %run_scoped3A = tpu.sem_alloc : memref<!tpu.dma_semaphore, #tpu.memory_space<semaphore_mem>>
        %dma_start3A = arith.constant 0 : i32
        %dma_start3A_86 = tpu.memref_slice %arg15[%dma_start3A] : memref<264xf32, #tpu.memory_space<vmem>> -> memref<256xf32, #tpu.memory_space<vmem>>
        %dma_start3A_87 = tpu.memref_slice %arg7[%mul3A_85] : memref<524288xf32, #tpu.memory_space<hbm>> -> memref<256xf32, #tpu.memory_space<hbm>>
        %dma_start3A_88 = tpu.memref_slice %arg7[%mul3A_85] : memref<524288xf32, #tpu.memory_space<hbm>> -> memref<256xf32, #tpu.memory_space<hbm>>
        %dma_start3A_89 = arith.constant 0 : i32
        %dma_start3A_90 = tpu.memref_slice %arg15[%dma_start3A_89] : memref<264xf32, #tpu.memory_space<vmem>> -> memref<256xf32, #tpu.memory_space<vmem>>
        tpu.enqueue_dma source(%dma_start3A_90 : memref<256xf32, #tpu.memory_space<vmem>>) target(%dma_start3A_88 : memref<256xf32, #tpu.memory_space<hbm>>) target_semaphore(%run_scoped3A : memref<!tpu.dma_semaphore, #tpu.memory_space<semaphore_mem>>)
        %dma_wait3A_91 = arith.constant 0 : i32
        %dma_wait3A_92 = tpu.memref_slice %arg15[%dma_wait3A_91] : memref<264xf32, #tpu.memory_space<vmem>> -> memref<256xf32, #tpu.memory_space<vmem>>
        %dma_wait3A_93 = tpu.memref_slice %arg7[%mul3A_85] : memref<524288xf32, #tpu.memory_space<hbm>> -> memref<256xf32, #tpu.memory_space<hbm>>
        %dma_wait3A_94 = tpu.memref_slice %arg7[%mul3A_85] : memref<524288xf32, #tpu.memory_space<hbm>> -> memref<256xf32, #tpu.memory_space<hbm>>
        %dma_wait3A_95 = arith.constant 0 : i32
        %dma_wait3A_96 = tpu.memref_slice %arg15[%dma_wait3A_95] : memref<264xf32, #tpu.memory_space<vmem>> -> memref<256xf32, #tpu.memory_space<vmem>>
        tpu.wait_dma2 semaphore(%run_scoped3A : memref<!tpu.dma_semaphore, #tpu.memory_space<semaphore_mem>>) src(%dma_wait3A_96 : memref<256xf32, #tpu.memory_space<vmem>>) dst(%dma_wait3A_94 : memref<256xf32, #tpu.memory_space<hbm>>)
        tpu.yield
      }) : () -> ()
    }
    %scan3A_50 = arith.constant 64 : i32
    return
  }
}

module attributes {stable_mosaic.version = 14 : i64} {
  func.func @_tc_body(%arg0: i32, %arg1: memref<512x256xf32, #tpu.memory_space<vmem>>, %arg2: memref<128x512xf32, #tpu.memory_space<vmem>>, %arg3: memref<128x512xf32, #tpu.memory_space<vmem>>, %arg4: memref<1x256xf32, #tpu.memory_space<vmem>>, %arg5: memref<1x256xf32, #tpu.memory_space<vmem>>, %arg6: memref<4x512x128xf32, #tpu.memory_space<vmem>>, %arg7: memref<4x512x128xf32, #tpu.memory_space<vmem>>, %arg8: memref<512x32xf32, #tpu.memory_space<vmem>>, %arg9: memref<512x32xf32, #tpu.memory_space<vmem>>, %arg10: memref<1x1xf32, #tpu.memory_space<vmem>>, %arg11: memref<2x512xf32, #tpu.memory_space<vmem>>) attributes {dimension_semantics = [#tpu.dimension_semantics<arbitrary>], iteration_bounds = array<i64: 128>, scalar_prefetch = 0 : i64, scratch_operands = 1 : i64, tpu.core_type = #tpu.core_type<tc>, window_params = [{transform_indices = @transform_0, window_bounds = array<i64: 512, 256>}, {pipeline_mode = #tpu.pipeline_mode<synchronous>, transform_indices = @transform_1, window_bounds = array<i64: 128, 512>}, {pipeline_mode = #tpu.pipeline_mode<synchronous>, transform_indices = @transform_2, window_bounds = array<i64: 128, 512>}, {pipeline_mode = #tpu.pipeline_mode<synchronous>, transform_indices = @transform_3, window_bounds = array<i64: 1, 256>}, {pipeline_mode = #tpu.pipeline_mode<synchronous>, transform_indices = @transform_4, window_bounds = array<i64: 1, 256>}, {transform_indices = @transform_5, window_bounds = array<i64: 4, 512, 128>}, {transform_indices = @transform_6, window_bounds = array<i64: 4, 512, 128>}, {transform_indices = @transform_7, window_bounds = array<i64: 512, 32>}, {transform_indices = @transform_8, window_bounds = array<i64: 512, 32>}, {pipeline_mode = #tpu.pipeline_mode<synchronous>, transform_indices = @transform_9, window_bounds = array<i64: 1, 1>}]} {
    %eq3A = arith.constant 0 : i32
    %eq3A_0 = arith.cmpi eq, %arg0, %eq3A : i32
    %convert_element_type3A = arith.extui %eq3A_0 : i1 to i32
    %cond3A = arith.constant 0 : i32
    %cond3A_1 = arith.cmpi ne, %convert_element_type3A, %cond3A : i32
    scf.if %cond3A_1 {
      %broadcast_in_dim3A_169 = arith.constant 0.000000e+00 : f32
      %broadcast_in_dim3A_170 = vector.broadcast %broadcast_in_dim3A_169 : f32 to vector<2x512xf32>
      %swap3A_171 = arith.constant 0 : index
      %swap3A_172 = arith.constant 0 : index
      %swap3A_173 = vector.load %arg11[%swap3A_171, %swap3A_172] : memref<2x512xf32, #tpu.memory_space<vmem>>, vector<2x512xf32>
      tpu.vector_store %arg11[%swap3A_171, %swap3A_172], %broadcast_in_dim3A_170 {strides = array<i32>} : memref<2x512xf32, #tpu.memory_space<vmem>>, vector<2x512xf32>,
    } else {
    }
    %get3A = arith.constant 0 : index
    %get3A_2 = arith.constant 0 : index
    %get3A_3 = vector.load %arg1[%get3A, %get3A_2] : memref<512x256xf32, #tpu.memory_space<vmem>>, vector<512x256xf32>
    %reduce_sum3A = arith.constant dense<0.000000e+00> : vector<512xf32>
    %reduce_sum3A_4 = vector.multi_reduction <add>, %get3A_3, %reduce_sum3A [1] : vector<512x256xf32> to vector<512xf32>
    %broadcast_in_dim3A = vector.shape_cast %reduce_sum3A_4 : vector<512xf32> to vector<512x1xf32>
    %div3A = arith.constant 2.560000e+02 : f32
    %div3A_5 = vector.broadcast %div3A : f32 to vector<512x1xf32>
    %div3A_6 = arith.divf %broadcast_in_dim3A, %div3A_5 : vector<512x1xf32>
    %sub3A = vector.broadcast %div3A_6 : vector<512x1xf32> to vector<512x256xf32>
    %sub3A_7 = arith.subf %get3A_3, %sub3A : vector<512x256xf32>
    %integer_pow3A = arith.mulf %sub3A_7, %sub3A_7 : vector<512x256xf32>
    %reduce_sum3A_8 = arith.constant dense<0.000000e+00> : vector<512xf32>
    %reduce_sum3A_9 = vector.multi_reduction <add>, %integer_pow3A, %reduce_sum3A_8 [1] : vector<512x256xf32> to vector<512xf32>
    %broadcast_in_dim3A_10 = vector.shape_cast %reduce_sum3A_9 : vector<512xf32> to vector<512x1xf32>
    %div3A_11 = arith.constant 2.560000e+02 : f32
    %div3A_12 = vector.broadcast %div3A_11 : f32 to vector<512x1xf32>
    %div3A_13 = arith.divf %broadcast_in_dim3A_10, %div3A_12 : vector<512x1xf32>
    %sub3A_14 = vector.broadcast %div3A_6 : vector<512x1xf32> to vector<512x256xf32>
    %sub3A_15 = arith.subf %get3A_3, %sub3A_14 : vector<512x256xf32>
    %add3A = arith.constant 9.99999974E-6 : f32
    %add3A_16 = vector.broadcast %add3A : f32 to vector<512x1xf32>
    %add3A_17 = arith.addf %div3A_13, %add3A_16 : vector<512x1xf32>
    %sqrt3A = math.sqrt %add3A_17 : vector<512x1xf32>
    %div3A_18 = vector.broadcast %sqrt3A : vector<512x1xf32> to vector<512x256xf32>
    %div3A_19 = arith.divf %sub3A_15, %div3A_18 : vector<512x256xf32>
    %get3A_20 = arith.constant 0 : index
    %get3A_21 = arith.constant 0 : index
    %get3A_22 = vector.load %arg4[%get3A_20, %get3A_21] : memref<1x256xf32, #tpu.memory_space<vmem>>, vector<1x256xf32>
    %mul3A = vector.broadcast %get3A_22 : vector<1x256xf32> to vector<512x256xf32>
    %mul3A_23 = arith.mulf %div3A_19, %mul3A : vector<512x256xf32>
    %get3A_24 = arith.constant 0 : index
    %get3A_25 = arith.constant 0 : index
    %get3A_26 = vector.load %arg5[%get3A_24, %get3A_25] : memref<1x256xf32, #tpu.memory_space<vmem>>, vector<1x256xf32>
    %add3A_27 = vector.broadcast %get3A_26 : vector<1x256xf32> to vector<512x256xf32>
    %add3A_28 = arith.addf %mul3A_23, %add3A_27 : vector<512x256xf32>
    %slice3A = vector.extract_strided_slice %add3A_28 {offsets = [0, 0], sizes = [512, 128], strides = [1, 1]} : vector<512x256xf32> to vector<512x128xf32>
    %get3A_29 = arith.constant 0 : index
    %get3A_30 = arith.constant 0 : index
    %get3A_31 = vector.load %arg2[%get3A_29, %get3A_30] : memref<128x512xf32, #tpu.memory_space<vmem>>, vector<128x512xf32>
    %dot_general3A = arith.constant dense<0.000000e+00> : vector<512x512xf32>
    %dot_general3A_32 = tpu.matmul %slice3A, %get3A_31, %dot_general3A {dimension_numbers = #tpu.dot_dimension_numbers<[1], [0], [0], [1], [0, 0, 1, 1], [], []>, transpose_lhs_hint = false} : vector<512x128xf32>, vector<128x512xf32>, vector<512x512xf32> -> vector<512x512xf32>
    %slice3A_33 = vector.extract_strided_slice %add3A_28 {offsets = [0, 128], sizes = [512, 128], strides = [1, 1]} : vector<512x256xf32> to vector<512x128xf32>
    %get3A_34 = arith.constant 0 : index
    %get3A_35 = arith.constant 0 : index
    %get3A_36 = vector.load %arg3[%get3A_34, %get3A_35] : memref<128x512xf32, #tpu.memory_space<vmem>>, vector<128x512xf32>
    %dot_general3A_37 = arith.constant dense<0.000000e+00> : vector<512x512xf32>
    %dot_general3A_38 = tpu.matmul %slice3A_33, %get3A_36, %dot_general3A_37 {dimension_numbers = #tpu.dot_dimension_numbers<[1], [0], [0], [1], [0, 0, 1, 1], [], []>, transpose_lhs_hint = false} : vector<512x128xf32>, vector<128x512xf32>, vector<512x512xf32> -> vector<512x512xf32>
    %slice3A_39 = vector.extract_strided_slice %dot_general3A_32 {offsets = [0, 0], sizes = [512, 128], strides = [1, 1]} : vector<512x512xf32> to vector<512x128xf32>
    %swap3A = arith.constant 0 : index
    %swap3A_40 = arith.constant 0 : index
    %swap3A_41 = arith.constant 0 : index
    %swap3A_42 = vector.load %arg6[%swap3A, %swap3A_40, %swap3A_41] : memref<4x512x128xf32, #tpu.memory_space<vmem>>, vector<1x512x128xf32>
    %swap3A_43 = vector.shape_cast %swap3A_42 : vector<1x512x128xf32> to vector<512x128xf32>
    %swap3A_44 = vector.shape_cast %slice3A_39 : vector<512x128xf32> to vector<1x512x128xf32>
    tpu.vector_store %arg6[%swap3A, %swap3A_40, %swap3A_41], %swap3A_44 {strides = array<i32>} : memref<4x512x128xf32, #tpu.memory_space<vmem>>, vector<1x512x128xf32>,
    %slice3A_45 = vector.extract_strided_slice %dot_general3A_38 {offsets = [0, 0], sizes = [512, 128], strides = [1, 1]} : vector<512x512xf32> to vector<512x128xf32>
    %swap3A_46 = arith.constant 0 : index
    %swap3A_47 = arith.constant 0 : index
    %swap3A_48 = arith.constant 0 : index
    %swap3A_49 = vector.load %arg7[%swap3A_46, %swap3A_47, %swap3A_48] : memref<4x512x128xf32, #tpu.memory_space<vmem>>, vector<1x512x128xf32>
    %swap3A_50 = vector.shape_cast %swap3A_49 : vector<1x512x128xf32> to vector<512x128xf32>
    %swap3A_51 = vector.shape_cast %slice3A_45 : vector<512x128xf32> to vector<1x512x128xf32>
    tpu.vector_store %arg7[%swap3A_46, %swap3A_47, %swap3A_48], %swap3A_51 {strides = array<i32>} : memref<4x512x128xf32, #tpu.memory_space<vmem>>, vector<1x512x128xf32>,
    %slice3A_52 = vector.extract_strided_slice %dot_general3A_32 {offsets = [0, 128], sizes = [512, 128], strides = [1, 1]} : vector<512x512xf32> to vector<512x128xf32>
    %swap3A_53 = arith.constant 1 : index
    %swap3A_54 = arith.constant 0 : index
    %swap3A_55 = arith.constant 0 : index
    %swap3A_56 = vector.load %arg6[%swap3A_53, %swap3A_54, %swap3A_55] : memref<4x512x128xf32, #tpu.memory_space<vmem>>, vector<1x512x128xf32>
    %swap3A_57 = vector.shape_cast %swap3A_56 : vector<1x512x128xf32> to vector<512x128xf32>
    %swap3A_58 = vector.shape_cast %slice3A_52 : vector<512x128xf32> to vector<1x512x128xf32>
    tpu.vector_store %arg6[%swap3A_53, %swap3A_54, %swap3A_55], %swap3A_58 {strides = array<i32>} : memref<4x512x128xf32, #tpu.memory_space<vmem>>, vector<1x512x128xf32>,
    %slice3A_59 = vector.extract_strided_slice %dot_general3A_38 {offsets = [0, 128], sizes = [512, 128], strides = [1, 1]} : vector<512x512xf32> to vector<512x128xf32>
    %swap3A_60 = arith.constant 1 : index
    %swap3A_61 = arith.constant 0 : index
    %swap3A_62 = arith.constant 0 : index
    %swap3A_63 = vector.load %arg7[%swap3A_60, %swap3A_61, %swap3A_62] : memref<4x512x128xf32, #tpu.memory_space<vmem>>, vector<1x512x128xf32>
    %swap3A_64 = vector.shape_cast %swap3A_63 : vector<1x512x128xf32> to vector<512x128xf32>
    %swap3A_65 = vector.shape_cast %slice3A_59 : vector<512x128xf32> to vector<1x512x128xf32>
    tpu.vector_store %arg7[%swap3A_60, %swap3A_61, %swap3A_62], %swap3A_65 {strides = array<i32>} : memref<4x512x128xf32, #tpu.memory_space<vmem>>, vector<1x512x128xf32>,
    %slice3A_66 = vector.extract_strided_slice %dot_general3A_32 {offsets = [0, 256], sizes = [512, 128], strides = [1, 1]} : vector<512x512xf32> to vector<512x128xf32>
    %swap3A_67 = arith.constant 2 : index
    %swap3A_68 = arith.constant 0 : index
    %swap3A_69 = arith.constant 0 : index
    %swap3A_70 = vector.load %arg6[%swap3A_67, %swap3A_68, %swap3A_69] : memref<4x512x128xf32, #tpu.memory_space<vmem>>, vector<1x512x128xf32>
    %swap3A_71 = vector.shape_cast %swap3A_70 : vector<1x512x128xf32> to vector<512x128xf32>
    %swap3A_72 = vector.shape_cast %slice3A_66 : vector<512x128xf32> to vector<1x512x128xf32>
    tpu.vector_store %arg6[%swap3A_67, %swap3A_68, %swap3A_69], %swap3A_72 {strides = array<i32>} : memref<4x512x128xf32, #tpu.memory_space<vmem>>, vector<1x512x128xf32>,
    %slice3A_73 = vector.extract_strided_slice %dot_general3A_38 {offsets = [0, 256], sizes = [512, 128], strides = [1, 1]} : vector<512x512xf32> to vector<512x128xf32>
    %swap3A_74 = arith.constant 2 : index
    %swap3A_75 = arith.constant 0 : index
    %swap3A_76 = arith.constant 0 : index
    %swap3A_77 = vector.load %arg7[%swap3A_74, %swap3A_75, %swap3A_76] : memref<4x512x128xf32, #tpu.memory_space<vmem>>, vector<1x512x128xf32>
    %swap3A_78 = vector.shape_cast %swap3A_77 : vector<1x512x128xf32> to vector<512x128xf32>
    %swap3A_79 = vector.shape_cast %slice3A_73 : vector<512x128xf32> to vector<1x512x128xf32>
    tpu.vector_store %arg7[%swap3A_74, %swap3A_75, %swap3A_76], %swap3A_79 {strides = array<i32>} : memref<4x512x128xf32, #tpu.memory_space<vmem>>, vector<1x512x128xf32>,
    %slice3A_80 = vector.extract_strided_slice %dot_general3A_32 {offsets = [0, 384], sizes = [512, 128], strides = [1, 1]} : vector<512x512xf32> to vector<512x128xf32>
    %swap3A_81 = arith.constant 3 : index
    %swap3A_82 = arith.constant 0 : index
    %swap3A_83 = arith.constant 0 : index
    %swap3A_84 = vector.load %arg6[%swap3A_81, %swap3A_82, %swap3A_83] : memref<4x512x128xf32, #tpu.memory_space<vmem>>, vector<1x512x128xf32>
    %swap3A_85 = vector.shape_cast %swap3A_84 : vector<1x512x128xf32> to vector<512x128xf32>
    %swap3A_86 = vector.shape_cast %slice3A_80 : vector<512x128xf32> to vector<1x512x128xf32>
    tpu.vector_store %arg6[%swap3A_81, %swap3A_82, %swap3A_83], %swap3A_86 {strides = array<i32>} : memref<4x512x128xf32, #tpu.memory_space<vmem>>, vector<1x512x128xf32>,
    %slice3A_87 = vector.extract_strided_slice %dot_general3A_38 {offsets = [0, 384], sizes = [512, 128], strides = [1, 1]} : vector<512x512xf32> to vector<512x128xf32>
    %swap3A_88 = arith.constant 3 : index
    %swap3A_89 = arith.constant 0 : index
    %swap3A_90 = arith.constant 0 : index
    %swap3A_91 = vector.load %arg7[%swap3A_88, %swap3A_89, %swap3A_90] : memref<4x512x128xf32, #tpu.memory_space<vmem>>, vector<1x512x128xf32>
    %swap3A_92 = vector.shape_cast %swap3A_91 : vector<1x512x128xf32> to vector<512x128xf32>
    %swap3A_93 = vector.shape_cast %slice3A_87 : vector<512x128xf32> to vector<1x512x128xf32>
    tpu.vector_store %arg7[%swap3A_88, %swap3A_89, %swap3A_90], %swap3A_93 {strides = array<i32>} : memref<4x512x128xf32, #tpu.memory_space<vmem>>, vector<1x512x128xf32>,
    %iota3A = tpu.iota {dimensions = array<i32: 0>} : vector<512x32xi32>
    %iota3A_94 = tpu.iota {dimensions = array<i32: 1>} : vector<512x32xi32>
    %mul3A_95 = arith.constant 16 : i32
    %mul3A_96 = vector.broadcast %mul3A_95 : i32 to vector<512x32xi32>
    %mul3A_97 = arith.muli %mul3A_96, %iota3A_94 : vector<512x32xi32>
    %eq3A_98 = arith.cmpi eq, %iota3A, %mul3A_97 : vector<512x32xi32>
    %convert_element_type3A_99 = arith.extui %eq3A_98 : vector<512x32xi1> to vector<512x32xi32>
    %convert_element_type3A_100 = arith.sitofp %convert_element_type3A_99 : vector<512x32xi32> to vector<512x32xf32>
    %roll3A = arith.constant 511 : i32
    %roll3A_101 = tpu.dynamic_rotate %dot_general3A_32 by %roll3A dim 1 : vector<512x512xf32>, i32 -> vector<512x512xf32>
    %max3A = arith.maximumf %dot_general3A_32, %roll3A_101 : vector<512x512xf32>
    %roll3A_102 = arith.constant 510 : i32
    %roll3A_103 = tpu.dynamic_rotate %max3A by %roll3A_102 dim 1 : vector<512x512xf32>, i32 -> vector<512x512xf32>
    %max3A_104 = arith.maximumf %max3A, %roll3A_103 : vector<512x512xf32>
    %roll3A_105 = arith.constant 508 : i32
    %roll3A_106 = tpu.dynamic_rotate %max3A_104 by %roll3A_105 dim 1 : vector<512x512xf32>, i32 -> vector<512x512xf32>
    %max3A_107 = arith.maximumf %max3A_104, %roll3A_106 : vector<512x512xf32>
    %roll3A_108 = arith.constant 504 : i32
    %roll3A_109 = tpu.dynamic_rotate %max3A_107 by %roll3A_108 dim 1 : vector<512x512xf32>, i32 -> vector<512x512xf32>
    %max3A_110 = arith.maximumf %max3A_107, %roll3A_109 : vector<512x512xf32>
    %dot_general3A_111 = arith.constant dense<0.000000e+00> : vector<512x32xf32>
    %dot_general3A_112 = tpu.matmul %max3A_110, %convert_element_type3A_100, %dot_general3A_111 {dimension_numbers = #tpu.dot_dimension_numbers<[1], [0], [0], [1], [0, 0, 1, 1], [], []>, precision = #tpu.contract_precision<fp32>, transpose_lhs_hint = false} : vector<512x512xf32>, vector<512x32xf32>, vector<512x32xf32> -> vector<512x32xf32>
    %swap3A_113 = arith.constant 0 : index
    %swap3A_114 = arith.constant 0 : index
    %swap3A_115 = vector.load %arg8[%swap3A_113, %swap3A_114] : memref<512x32xf32, #tpu.memory_space<vmem>>, vector<512x32xf32>
    tpu.vector_store %arg8[%swap3A_113, %swap3A_114], %dot_general3A_112 {strides = array<i32>} : memref<512x32xf32, #tpu.memory_space<vmem>>, vector<512x32xf32>,
    %roll3A_116 = arith.constant 511 : i32
    %roll3A_117 = tpu.dynamic_rotate %dot_general3A_38 by %roll3A_116 dim 1 : vector<512x512xf32>, i32 -> vector<512x512xf32>
    %max3A_118 = arith.maximumf %dot_general3A_38, %roll3A_117 : vector<512x512xf32>
    %roll3A_119 = arith.constant 510 : i32
    %roll3A_120 = tpu.dynamic_rotate %max3A_118 by %roll3A_119 dim 1 : vector<512x512xf32>, i32 -> vector<512x512xf32>
    %max3A_121 = arith.maximumf %max3A_118, %roll3A_120 : vector<512x512xf32>
    %roll3A_122 = arith.constant 508 : i32
    %roll3A_123 = tpu.dynamic_rotate %max3A_121 by %roll3A_122 dim 1 : vector<512x512xf32>, i32 -> vector<512x512xf32>
    %max3A_124 = arith.maximumf %max3A_121, %roll3A_123 : vector<512x512xf32>
    %roll3A_125 = arith.constant 504 : i32
    %roll3A_126 = tpu.dynamic_rotate %max3A_124 by %roll3A_125 dim 1 : vector<512x512xf32>, i32 -> vector<512x512xf32>
    %max3A_127 = arith.maximumf %max3A_124, %roll3A_126 : vector<512x512xf32>
    %dot_general3A_128 = arith.constant dense<0.000000e+00> : vector<512x32xf32>
    %dot_general3A_129 = tpu.matmul %max3A_127, %convert_element_type3A_100, %dot_general3A_128 {dimension_numbers = #tpu.dot_dimension_numbers<[1], [0], [0], [1], [0, 0, 1, 1], [], []>, precision = #tpu.contract_precision<fp32>, transpose_lhs_hint = false} : vector<512x512xf32>, vector<512x32xf32>, vector<512x32xf32> -> vector<512x32xf32>
    %swap3A_130 = arith.constant 0 : index
    %swap3A_131 = arith.constant 0 : index
    %swap3A_132 = vector.load %arg9[%swap3A_130, %swap3A_131] : memref<512x32xf32, #tpu.memory_space<vmem>>, vector<512x32xf32>
    tpu.vector_store %arg9[%swap3A_130, %swap3A_131], %dot_general3A_129 {strides = array<i32>} : memref<512x32xf32, #tpu.memory_space<vmem>>, vector<512x32xf32>,
    %exp3A = math.exp %dot_general3A_32 : vector<512x512xf32>
    %exp3A_133 = math.exp %dot_general3A_38 : vector<512x512xf32>
    %reduce_sum3A_134 = arith.constant dense<0.000000e+00> : vector<512xf32>
    %reduce_sum3A_135 = vector.multi_reduction <add>, %exp3A, %reduce_sum3A_134 [1] : vector<512x512xf32> to vector<512xf32>
    %broadcast_in_dim3A_136 = vector.shape_cast %reduce_sum3A_135 : vector<512xf32> to vector<512x1xf32>
    %div3A_137 = vector.broadcast %broadcast_in_dim3A_136 : vector<512x1xf32> to vector<512x512xf32>
    %div3A_138 = arith.divf %exp3A, %div3A_137 : vector<512x512xf32>
    %reduce_sum3A_139 = arith.constant dense<0.000000e+00> : vector<512xf32>
    %reduce_sum3A_140 = vector.multi_reduction <add>, %exp3A_133, %reduce_sum3A_139 [1] : vector<512x512xf32> to vector<512xf32>
    %broadcast_in_dim3A_141 = vector.shape_cast %reduce_sum3A_140 : vector<512xf32> to vector<512x1xf32>
    %div3A_142 = vector.broadcast %broadcast_in_dim3A_141 : vector<512x1xf32> to vector<512x512xf32>
    %div3A_143 = arith.divf %exp3A_133, %div3A_142 : vector<512x512xf32>
    %get3A_144 = arith.constant 0 : index
    %get3A_145 = arith.constant 0 : index
    %get3A_146 = vector.load %arg11[%get3A_144, %get3A_145] : memref<2x512xf32, #tpu.memory_space<vmem>>, vector<1x512xf32>
    %reduce_sum3A_147 = arith.constant dense<0.000000e+00> : vector<512xf32>
    %reduce_sum3A_148 = vector.multi_reduction <add>, %div3A_138, %reduce_sum3A_147 [0] : vector<512x512xf32> to vector<512xf32>
    %broadcast_in_dim3A_149 = vector.shape_cast %reduce_sum3A_148 : vector<512xf32> to vector<1x512xf32>
    %add3A_150 = arith.addf %get3A_146, %broadcast_in_dim3A_149 : vector<1x512xf32>
    %swap3A_151 = arith.constant 0 : index
    %swap3A_152 = arith.constant 0 : index
    %swap3A_153 = vector.load %arg11[%swap3A_151, %swap3A_152] : memref<2x512xf32, #tpu.memory_space<vmem>>, vector<1x512xf32>
    tpu.vector_store %arg11[%swap3A_151, %swap3A_152], %add3A_150 {strides = array<i32>} : memref<2x512xf32, #tpu.memory_space<vmem>>, vector<1x512xf32>,
    %get3A_154 = arith.constant 1 : index
    %get3A_155 = arith.constant 0 : index
    %get3A_156 = vector.load %arg11[%get3A_154, %get3A_155] : memref<2x512xf32, #tpu.memory_space<vmem>>, vector<1x512xf32>
    %reduce_sum3A_157 = arith.constant dense<0.000000e+00> : vector<512xf32>
    %reduce_sum3A_158 = vector.multi_reduction <add>, %div3A_143, %reduce_sum3A_157 [0] : vector<512x512xf32> to vector<512xf32>
    %broadcast_in_dim3A_159 = vector.shape_cast %reduce_sum3A_158 : vector<512xf32> to vector<1x512xf32>
    %add3A_160 = arith.addf %get3A_156, %broadcast_in_dim3A_159 : vector<1x512xf32>
    %swap3A_161 = arith.constant 1 : index
    %swap3A_162 = arith.constant 0 : index
    %swap3A_163 = vector.load %arg11[%swap3A_161, %swap3A_162] : memref<2x512xf32, #tpu.memory_space<vmem>>, vector<1x512xf32>
    tpu.vector_store %arg11[%swap3A_161, %swap3A_162], %add3A_160 {strides = array<i32>} : memref<2x512xf32, #tpu.memory_space<vmem>>, vector<1x512xf32>,
    %eq3A_164 = arith.constant 127 : i32
    %eq3A_165 = arith.cmpi eq, %arg0, %eq3A_164 : i32
    %convert_element_type3A_166 = arith.extui %eq3A_165 : i1 to i32
    %cond3A_167 = arith.constant 0 : i32
    %cond3A_168 = arith.cmpi ne, %convert_element_type3A_166, %cond3A_167 : i32
    scf.if %cond3A_168 {
      %get3A_169 = arith.constant 0 : index
      %get3A_170 = arith.constant 0 : index
      %get3A_171 = vector.load %arg11[%get3A_169, %get3A_170] : memref<2x512xf32, #tpu.memory_space<vmem>>, vector<2x512xf32>
      %mul3A_172 = arith.constant 1.52587891E-5 : f32
      %mul3A_173 = vector.broadcast %mul3A_172 : f32 to vector<2x512xf32>
      %mul3A_174 = arith.mulf %get3A_171, %mul3A_173 : vector<2x512xf32>
      %mul3A_175 = arith.mulf %mul3A_174, %mul3A_174 : vector<2x512xf32>
      %reduce_sum3A_176 = vector.shape_cast %mul3A_175 : vector<2x512xf32> to vector<1x2x512xf32>
      %reduce_sum3A_177 = arith.constant dense<0.000000e+00> : vector<1xf32>
      %reduce_sum3A_178 = vector.multi_reduction <add>, %reduce_sum3A_176, %reduce_sum3A_177 [1, 2] : vector<1x2x512xf32> to vector<1xf32>
      %reduce_sum3A_179 = vector.shape_cast %reduce_sum3A_178 : vector<1xf32> to vector<1x1x1xf32>
      %reduce_sum3A_180 = vector.extract %reduce_sum3A_179[0, 0, 0] : f32 from vector<1x1x1xf32>
      %reshape3A = vector.broadcast %reduce_sum3A_180 : f32 to vector<1x1xf32>
      %mul3A_181 = arith.constant 5.120000e+02 : f32
      %mul3A_182 = vector.broadcast %mul3A_181 : f32 to vector<1x1xf32>
      %mul3A_183 = arith.mulf %reshape3A, %mul3A_182 : vector<1x1xf32>
      %swap3A_184 = arith.constant 0 : index
      %swap3A_185 = arith.constant 0 : index
      %swap3A_186 = vector.load %arg10[%swap3A_184, %swap3A_185] : memref<1x1xf32, #tpu.memory_space<vmem>>, vector<1x1xf32>
      tpu.vector_store %arg10[%swap3A_184, %swap3A_185], %mul3A_183 {strides = array<i32>} : memref<1x1xf32, #tpu.memory_space<vmem>>, vector<1x1xf32>,
    } else {
    }
    return
  }
  func.func @transform_0(%arg0: i32) -> (i32, i32) {
    %c0_i32 = arith.constant 0 : i32
    %c0_i32_0 = arith.constant 0 : i32
    return %arg0, %c0_i32 : i32, i32
  }
  func.func @transform_1(%arg0: i32) -> (i32, i32) {
    %c0_i32 = arith.constant 0 : i32
    %c0_i32_0 = arith.constant 0 : i32
    %c0_i32_1 = arith.constant 0 : i32
    return %c0_i32, %c0_i32_0 : i32, i32
  }
  func.func @transform_2(%arg0: i32) -> (i32, i32) {
    %c0_i32 = arith.constant 0 : i32
    %c0_i32_0 = arith.constant 0 : i32
    %c0_i32_1 = arith.constant 0 : i32
    return %c0_i32, %c0_i32_0 : i32, i32
  }
  func.func @transform_3(%arg0: i32) -> (i32, i32) {
    %c0_i32 = arith.constant 0 : i32
    %c0_i32_0 = arith.constant 0 : i32
    %c0_i32_1 = arith.constant 0 : i32
    return %c0_i32, %c0_i32_0 : i32, i32
  }
  func.func @transform_4(%arg0: i32) -> (i32, i32) {
    %c0_i32 = arith.constant 0 : i32
    %c0_i32_0 = arith.constant 0 : i32
    %c0_i32_1 = arith.constant 0 : i32
    return %c0_i32, %c0_i32_0 : i32, i32
  }
  func.func @transform_5(%arg0: i32) -> (i32, i32, i32) {
    %c0_i32 = arith.constant 0 : i32
    %c0_i32_0 = arith.constant 0 : i32
    %c0_i32_1 = arith.constant 0 : i32
    return %c0_i32, %arg0, %c0_i32_0 : i32, i32, i32
  }
  func.func @transform_6(%arg0: i32) -> (i32, i32, i32) {
    %c0_i32 = arith.constant 0 : i32
    %c0_i32_0 = arith.constant 0 : i32
    %c0_i32_1 = arith.constant 0 : i32
    return %c0_i32, %arg0, %c0_i32_0 : i32, i32, i32
  }
  func.func @transform_7(%arg0: i32) -> (i32, i32) {
    %c0_i32 = arith.constant 0 : i32
    %c0_i32_0 = arith.constant 0 : i32
    return %arg0, %c0_i32 : i32, i32
  }
  func.func @transform_8(%arg0: i32) -> (i32, i32) {
    %c0_i32 = arith.constant 0 : i32
    %c0_i32_0 = arith.constant 0 : i32
    return %arg0, %c0_i32 : i32, i32
  }
  func.func @transform_9(%arg0: i32) -> (i32, i32) {
    %c0_i32 = arith.constant 0 : i32
    %c0_i32_0 = arith.constant 0 : i32
    %c0_i32_1 = arith.constant 0 : i32
    return %c0_i32, %c0_i32_0 : i32, i32
  }
}

</mosaic_0001>

<sc_bundles>
// kernel: _run.4.cloned.1.call-start
scs
__scs_entry_jumppad:
0x0: {  	(pc) =	sbr.rel $0x88, $3  }
0x1: {  	(tag) =	ssettag $0x0;
	lr =	simm.s32 $0x1  }
0x2: {  	[smem:$0x3F9C] =	sst lr;
	_ =	strace $0xD0000000  }
0x3: {  	_ = 	snop  }
0x4: {  	_ = 	snop  }
0x5: {  	_ = 	snop  }
0x6: {  	_ = 	snop  }
0x7: {  	_ = 	snop  }
__scs_overlays_trampoline_lowered:
0x8: {  	[smem:$0x3FAB] =	sst s0  }
0x9: {  	[smem:$0x3FAC] =	sst s1  }
0xa: {  	[smem:$0x3FAD] =	sst s2  }
0xb: {  	[smem:$0x3FAE] =	sst s3  }
0xc: {  	[smem:$0x3FAF] =	sst s4  }
0xd: {  	[smem:$0x3FB0] =	sst s5  }
0xe: {  	[smem:$0x3FB1] =	sst s6  }
0xf: {  	[smem:$0x3FB2] =	sst s7  }
0x10: {  	[smem:$0x3FB3] =	sst s8  }
0x11: {  	[smem:$0x3FB4] =	sst s9;
	s0 =	simm.s32 @!p0 $0x0  }
0x12: {  	s1 =	sld [smem:$0x3F9A];
	s0 =	simm.s32 @p0 $0x1  }
0x13: {  	[smem:$0x3FB5] =	sst s0;
	s0 =	simm.s32 @!p1 $0x0  }
0x14: {  	s2 =	sld [smem:$0x3F99];
	s0 =	simm.s32 @p1 $0x1  }
0x15: {  	[smem:$0x3FB6] =	sst s0;
	s0 =	simm.s32 @!p2 $0x0  }
0x16: {  	s3 =	sld [smem:$0x3FDB];
	s0 =	simm.s32 @p2 $0x1  }
0x17: {  	s4 =	simm.s32 $0x1BF5;
	[smem:$0x3FB8] =	sst s0  }
0x18: {  	s0 =	sld [smem:$0x3F9B];
	_ =	swait.ge [sflag:s4], $0x0  }
0x19: {  	s7 =	sld [smem:$0x3F9C]  }
0x1a: {  	s8 =	sadd.s32 $0xFFFFE003, lr  }
0x1b: {  	s9 =	sadd.s32 $0xFFFFFEF7, lr;
	s5 =	simm.s32 $0xFFFFFFFF;
	p2 =	slt.u32 s8, $0xFFFFF086  }
0x1c: {  	p1 =	slt.u32 s9, $0xF7A;
	s5 =	simm.s32 @!p2 $0x0  }
0x1d: {  	s5 =	simm.s32 @p1 $0x1;
	p0 =	seq.s32 s7, s2  }
0x1e: {  	s7 =	smul.u32 @!p0 $0xF7A, s2;
	p2 =	seq.s32 @!p0 s5, $0x0  }
0x1f: {  	s9 =	smul.u32 $0xF7A, s1;
	s8 =	simm.s32 @!p0 $0x1BF5;
	p2 =	por !p2, p0  }
0x20: {  	[sflag:s8] =	ssyncset.s32 @!p0 $0xFFFFF086;
	s6 =	sadd.s32 @!p0 s3, s7;
	s7 =	simm.s32 @!p0 $0x108  }
0x21: {  	s3 =	sadd.s32 s3, s9;
	s6 =	sadd.s32 @!p0 $0x88, s6;
	s7 =	simm.s32 @p2 $0x1082  }
0x22: {  	[simem:s7], [sflag:s8] =	dma.local @!p0 [hbm:s6], $0xF7A  }
0x23: {  	s9 =	sor.u32 $0xD0000000, s2;
	s6 =	simm.s32 $0x108;
	_ =	swait.ge @!p0 [sflag:s8], $0x0  }
0x24: {  	s3 =	sadd.s32 $0x88, s3;
	s6 =	simm.s32 @!p1 $0x1082;
	[sflag:s4] =	ssyncset.s32 $0xFFFFF086  }
0x25: {  	[simem:s6], [sflag:s4] =	dma.local [hbm:s3], $0xF7A  }
0x26: {  	[smem:$0x3F9C] =	sst s1;
	(tag) =	ssettag s2;
	_ =	strace s9  }
0x27: {  	s1 =	sld [smem:$0x3FAC]  }
0x28: {  	s2 =	sld [smem:$0x3FAD]  }
0x29: {  	s4 =	sld [smem:$0x3FAF]  }
0x2a: {  	p0 =	seq.s32 s5, $0x0;
	s5 =	sld [smem:$0x3FB0]  }
0x2b: {  	s6 =	sld [smem:$0x3FB1]  }
0x2c: {  	s7 =	sld [smem:$0x3FB2]  }
0x2d: {  	s3 =	simm.s32 $0x108;
	s8 =	sld [smem:$0x3FB3]  }
0x2e: {  	s3 =	simm.s32 @!p0 $0x1082;
	s9 =	sld [smem:$0x3FB4]  }
0x2f: {  	lr =	sadd.s32 s0, s3;
	s0 =	sld [smem:$0x3FAB]  }
0x30: {  	s3 =	sld [smem:$0x3FAE]  }
0x31: {  	[smem:$0x3FB7] =	sst s10  }
0x32: {  	s10 =	sld [smem:$0x3FB5];
	_ =	sdelay $0x3  }
0x33: {  	p0 =	seq.s32 s10, $0x1;
	s10 =	sld [smem:$0x3FB7];
	_ =	sdelay $0x3  }
0x34: {  	[smem:$0x3FB7] =	sst s10  }
0x35: {  	s10 =	sld [smem:$0x3FB6];
	_ =	sdelay $0x3  }
0x36: {  	p1 =	seq.s32 s10, $0x1;
	s10 =	sld [smem:$0x3FB7];
	_ =	sdelay $0x3  }
0x37: {  	[smem:$0x3FB7] =	sst s10  }
0x38: {  	s10 =	sld [smem:$0x3FB8]  }
0x39: {  	_ = 	snop;
	(pc) =	sbr.ind lr, $3  }
0x3a: {  	_ = 	snop  }
0x3b: {  	_ = 	snop  }
0x3c: {  	p2 =	seq.s32 s10, $0x1;
	s10 =	sld [smem:$0x3FB7]  }
0x3d: {  	_ =	shalt  }
0x3e: {  	_ =	shalt  }
0x3f: {  	_ =	shalt  }
0x40: {  	_ =	shalt  }
0x41: {  	_ =	shalt  }
0x42: {  	_ =	shalt  }
0x43: {  	_ =	shalt  }
0x44: {  	_ =	shalt  }
0x45: {  	_ =	shalt  }
0x46: {  	_ =	shalt  }
0x47: {  	_ =	shalt  }
0x48: {  	_ =	shalt  }
0x49: {  	_ =	shalt  }
0x4a: {  	_ =	shalt  }
0x4b: {  	_ =	shalt  }
0x4c: {  	_ =	shalt  }
0x4d: {  	_ =	shalt  }
0x4e: {  	_ =	shalt  }
0x4f: {  	_ =	shalt  }
0x50: {  	_ =	shalt  }
0x51: {  	_ =	shalt  }
0x52: {  	_ =	shalt  }
0x53: {  	_ =	shalt  }
0x54: {  	_ =	shalt  }
0x55: {  	_ =	shalt  }
0x56: {  	_ =	shalt  }
0x57: {  	_ =	shalt  }
0x58: {  	_ =	shalt  }
0x59: {  	_ =	shalt  }
0x5a: {  	_ =	shalt  }
0x5b: {  	_ =	shalt  }
0x5c: {  	_ =	shalt  }
0x5d: {  	_ =	shalt  }
0x5e: {  	_ =	shalt  }
0x5f: {  	_ =	shalt  }
0x60: {  	_ =	shalt  }
0x61: {  	_ =	shalt  }
0x62: {  	_ =	shalt  }
0x63: {  	_ =	shalt  }
0x64: {  	_ =	shalt  }
0x65: {  	_ =	shalt  }
0x66: {  	_ =	shalt  }
0x67: {  	_ =	shalt  }
0x68: {  	_ =	shalt  }
0x69: {  	_ =	shalt  }
0x6a: {  	_ =	shalt  }
0x6b: {  	_ =	shalt  }
0x6c: {  	_ =	shalt  }
0x6d: {  	_ =	shalt  }
0x6e: {  	_ =	shalt  }
0x6f: {  	_ =	shalt  }
0x70: {  	_ =	shalt  }
0x71: {  	_ =	shalt  }
0x72: {  	_ =	shalt  }
0x73: {  	_ =	shalt  }
0x74: {  	_ =	shalt  }
0x75: {  	_ =	shalt  }
0x76: {  	_ =	shalt  }
0x77: {  	_ =	shalt  }
0x78: {  	_ =	shalt  }
0x79: {  	_ =	shalt  }
0x7a: {  	_ =	shalt  }
0x7b: {  	_ =	shalt  }
0x7c: {  	_ =	shalt  }
0x7d: {  	_ =	shalt  }
0x7e: {  	_ =	shalt  }
0x7f: {  	_ =	shalt  }
0x80: {  	_ =	shalt  }
0x81: {  	_ =	shalt  }
0x82: {  	_ =	shalt  }
0x83: {  	_ =	shalt  }
0x84: {  	_ =	shalt  }
0x85: {  	_ =	shalt  }
0x86: {  	_ =	shalt  }
0x87: {  	_ =	shalt  }
.Lfunc_end0:
.L_simem_size_0:
called_computation_lowered:
.L_overlay_start_0:
0x88: {  	s2 =	sld [smem:$0x3FD9]  }
0x89: {  	s3 =	sld [smem:$0x3FFE];
	_ =	sdelay $0x1  }
0x8a: {  	s1 =	srdreg.scid  }
0x8b: {  	s0 =	sand.u32 $0x1, s1  }
0x8c: {  	s14 =	sshll.u32 s0, $0xA;
	s2 =	sadd.s32 s3, s2  }
0x8d: {  	s2 =	sadd.s32 s2, s14  }
0x8e: {  	[smem:$0x3FC3] =	sst s2  }
0x8f: {  	_ = 	snop  }
0x90: {  	s2 =	sld [smem:$0x3FD0];
	_ =	sdelay $0x2  }
0x91: {  	s15 =	simm.s32 $0xA;
	s4 =	simm.s32 $0x10  }
0x92: {  	[smem:s4], [sflag:s15] =	dma.local [hbm:s2], $0x1  }
0x93: {  	_ =	swait.eq [sflag:s15], $0x1  }
0x94: {  	[sflag:s15] =	ssyncset.done $0x0  }
0x95: {  	s16 =	sld [smem:$0x10];
	[sflag:s15] =	ssyncadd.s32 $0xFFFFFFFF  }
0x96: {  	s17 =	sld [smem:$0x11];
	(tm) =	ssettm $0x1  }
0x97: {  	s18 =	sld [smem:$0x3FFB];
	_ =	sdelay $0x3  }
0x98: {  	_ =	strace s18  }
0x99: {  	s4 =	sld [smem:$0x3FFC];
	_ =	sdelay $0x3  }
0x9a: {  	_ =	strace s4  }
0x9b: {  	s4 =	sld [smem:$0x3FFD];
	_ =	sdelay $0x3  }
0x9c: {  	_ =	strace s4  }
0x9d: {  	_ =	strace $0x8FFFFFFF  }
0x9e: {  	s19 =	sld [smem:$0x3FDB];
	_ =	sdelay $0x1  }
0x9f: {  	s5 =	simm.s32 $_scs_section_size  }
0xa0: {  	s6 =	simm.s32 $_size__tile_overlayer_lowered;
	s7 =	simm.s32 $_tile_overlayer_lowered  }
0xa1: {  	s22 =	simm.s32 $0x1BFF;
	s21 =	sshll.u32 s7, $0x1;
	s4 =	sadd.s32 s5, s19  }
0xa2: {  	s8 =	simm.s32 $0x0;
	s20 =	sshll.u32 s6, $0x1;
	s6 =	sadd.s32 s21, s4  }
0xa3: {  	[timem:s8], [sflag:s22] =	dma.local [hbm:s6], s20  }
0xa4: {  	_ =	swait.ge [sflag:s22], s20  }
0xa5: {  	s5 =	ssub.s32 $0x0, s20;
	[sflag:s22] =	ssyncset.done $0x0  }
0xa6: {  	[sflag:s22] =	ssyncadd.s32 s5;
	_ =	sdelay $0x1  }
0xa7: {  	s23 =	simm.s32 $0x1B8B  }
0xa8: {  	_ =	swait.ge [sflag:s23], $0x1  }
0xa9: {  	[sflag:s23] =	ssyncset.done $0x0  }
0xaa: {  	s25 =	simm.s32 $0x1B8E;
	s24 =	sld [smem:$0x3FFE];
	[sflag:s23] =	ssyncadd.s32 $0xFFFFFFFF  }
0xab: {  	s26 =	simm.s32 $execute0_lowered;
	[smem:$0x3FD2] =	sst s25  }
0xac: {  	s6 =	sshll.u32 s26, $0x1;
	_ =	strace $0x80000046;
	[dreg:$0x1] =	wrdreg $0xFFFFFFFF  }
0xad: {  	s28 =	simm.s32 $_size_execute0_lowered;
	s4 =	sadd.s32 s4, s6;
	[dreg:$0x0] =	wrdreg $0x0  }
0xae: {  	s6 =	sshll.u32 s28, $0x1;
	[dreg:$0x2] =	wrdreg s4  }
0xaf: {  	[dreg:$0x3] =	wrdreg s6  }
0xb0: {  	[dreg:$0x4] =	wrdreg $0xC0  }
0xb1: {  	_ =	task [dreg:s8], $0x5FFFF  }
0xb2: {  	[dreg:$0x1] =	wrdreg $0xFFFFFFFF  }
0xb3: {  	[dreg:$0x0] =	wrdreg $0x60  }
0xb4: {  	[dreg:$0x2] =	wrdreg s24  }
0xb5: {  	[dreg:$0x3] =	wrdreg s16  }
0xb6: {  	[dreg:$0x4] =	wrdreg s17  }
0xb7: {  	[dreg:$0x5] =	wrdreg $0x9  }
0xb8: {  	_ =	task.clear_ibuf [dreg:s8], $0x6FFFF;
	_ =	strace $0x90000046  }
0xb9: {  	s29 =	simm.s32 $0x9;
	_ =	strace $0x80000048  }
0xba: {  	_ =	swait.ge [sflag:s29], $0x1  }
0xbb: {  	[sflag:s29] =	ssyncadd.s32 $0xFFFFFFFF  }
0xbc: {  	_ =	strace $0x90000048  }
0xbd: {  	_ =	sfence  }
0xbe: {  	s30 =	sld [smem:$0x0];
	_ =	sdelay $0x2  }
0xbf: {  	s31 =	sshll.u32 s1, $0xD;
	s1 =	sshrl.u32 s1, $0x2  }
0xc0: {  	s3 =	sand.u32 $0x4000, s31;
	s1 =	sadd.s32 s1, s30  }
0xc1: {  	s0 =	sor.u32 s3, s0;
	s1 =	sshll.u32 s1, $0x11  }
0xc2: {  	s0 =	sor.u32 s1, s0  }
0xc3: {  	s0 =	sadd.s32 $0x8F2B, s0  }
0xc4: {  	[sflag:s0] =	ssyncadd.remote.s32 $0x1  }
0xc5: {  	_ =	sfence.sel $0xFFFF  }
0xc6: {  	[dreg:$0x0] =	wrdreg $0xFFFFFFFF;
	(pc) =	sbr.abs _section_cstart, $3  }
0xc7: {  	[dreg:$0x1] =	wrdreg $0xFFFFFFFF  }
0xc8: {  	_ =	task.clear_ibuf [dreg:s8], $0x2FFFF;
	_ =	strace $0x9FFFFFFF  }
0xc9: {  	(tm) =	ssettm $0x7FFFFFFF  }
tec
execute0_lowered:
.L_overlay_start_1:
0x0: {  	(tag) =	ssettag $0x1  }
0x1: {  	v0 =	vimm.s32 $0xE40000;
	v1 =	vimm.s32 $0x7060504  }
0x2: {  	vm2 =	vcmask $0x3F30;
	vm0 =	vmmov $0xffff;
	vm1 =	vmmov $0xff  }
0x3: {  	v11 =	vimm.s32 $0x76543210;
	v13 =	vimm.s32 $0x1000100;
	v14 =	vimm.s32 $0xB0A0908  }
0x4: {  	v15 =	vimm.s32 $0x19181110;
	vm3 =	vcmask $0xF00;
	v0 =	vunpack.c.l.s2.s4 v0  }
0x5: {  	v12 =	vunpack.c.0.s8.s32 v1;
	v1 =	vimm.s32 $0xFA550000;
	v11 =	vunpack.c.l.s4.s8 v11  }
0x6: {  	s7 =	rddreg [dreg:$0x0];
	vm4 =	vcmask $0x1F10;
	v13 =	vunpack.c.0.s8.s32 v13;
	v3 =	vunpack.c.l.s2.s4 v1  }
0x7: {  	s0 =	rddreg [dreg:$0x1];
	v0 =	vunpack.c.l.s4.s8 v0;
	v16 =	vunpack.c.0.s8.s32 v11;
	v11 =	vunpack.c.0.s8.s32 v14  }
0x8: {  	s2 =	rddreg [dreg:$0x2];
	v14 =	vunpack.c.0.s8.s32 v15;
	v15 =	vimm.s32 $0x38302820;
	v8 =	vunpack.c.l.s4.s8 v3  }
0x9: {  	s1 =	rddreg [dreg:$0x3];
	v15 =	vunpack.c.0.s8.s32 v15;
	v2 =	vunpack.c.0.s8.s32 v0;
	v0 =	vlaneseq.u32  }
0xa: {  	s3 =	simm.s32 $0x0;
	s5 =	srdreg.scid;
	s12 =	simm.s32 $0x400;
	v14 =	vsel vm4, v14, v11;
	v11 =	vsel vm2, v13, v16;
	v13 =	vand.u32 $0xF, v16  }
0xb: {  	s13 =	simm.s32 $0x1;
	s14 =	simm.s32 $0x2;
	s15 =	simm.s32 $0x2A10;
	v1 =	vor.u32 $0x10, v0;
	v4 =	vshrl.u32 v0, $0x3;
	v5 =	vor.u32 $0x30, v0  }
0xc: {  	s16 =	simm.s32 $0x2B18;
	s17 =	simm.s32 $0x0;
	[smem:$0x7FF] =	sst s3;
	v6 =	vor.u32 $0x40, v0;
	v7 =	vor.u32 $0x50, v0;
	v10 =	vunpack.c.0.s8.s32 v8  }
0xd: {  	s4 =	sadd.s32 $0x201000, s7;
	s9 =	sand.u32 $0x1, s5;
	s5 =	sadd.s32 $0x601000, s7;
	v8 =	vor.u32 $0x60, v0;
	v9 =	vor.u32 $0x70, v0;
	v17 =	vmul.u32 $0xFFFFFFFF, v0  }
0xe: {  	s6 =	sadd.s32 $0xA01000, s7;
	s8 =	sadd.s32 $0x1000, s7;
	s10 =	ssub.s32 $0x2, s9;
	v13 =	vcombine.low v13, v14;
	v16 =	vnsel vm3, $0x0, v15;
	v15 =	vimm.s32 $0x0  }
0xf: {  	s7 =	stileid.u32;
	_ =	strace $0x80000047;
	s11 =	sshrl.u32 s10, $0x1;
	v2 =	vand.u32 $0x3, v2;
	v3 =	vmul.u32 $0x8, v4;
	v4 =	vor.u32 $0x20, v0  }
0x10: {  	s31 =	sshll.u32 s7, $0xC;
	s9 =	sshll.u32 s9, $0xB;
	s10 =	ssub.s32 s10, s11;
	v2 =	vsel vm2, v12, v2;
	v10 =	vand.u32 $0x3, v10;
	v14 =	vadd.s32 $0xF, v17  }
0x11: {  	s9 =	sor.u32 s9, s31;
	s11 =	simm.s32 $0x3;
	s10 =	smax.u32 s10, $0x1;
	v12 =	vnsel vm3, $0x0, v12;
	vm2 =	vmmov $0xf;
	v16 =	vperm.xlane v16, v14  }
.LBB2_1:
0x12: {  	s18 =	smov.u32 s9;
	s19 =	simm.s32 $0x0  }
.LBB2_2:
0x13: {  	s20 =	sshll.u32 s19, $0x5  }
0x14: {  	s20 =	sadd.s32 s9, s20  }
0x15: {  	s21 =	sshll.u32 s20, $0x2  }
0x16: {  	s23 =	simm.s32 $0x0;
	s22 =	sadd.s32 s6, s21  }
0x17: {  	[tilespmem:s23], [sflag:$0x3] =	stream.linear.gather [hbm4b:s22+s23], $0x400, $0x38;
	[tilespmem:$0x2C20] =	vst v63  }
0x18: {  	_ =	swait.ge [sflag:s11], $0x400  }
0x19: {  	[sflag:s11] =	ssyncset.done $0x0  }
0x1a: {  	s21 =	sadd.s32 s8, s21;
	[sflag:s11] =	ssyncadd.s32 $0xFFFFFC00  }
0x1b: {  	[tilespmem:s12], [sflag:$0x3] =	stream.linear.gather [hbm4b:s21+s23], $0x400, $0x38;
	[tilespmem:$0x2C20] =	vst v63  }
0x1c: {  	_ =	swait.ge [sflag:s11], $0x400  }
0x1d: {  	[sflag:s11] =	ssyncset.done $0x0  }
0x1e: {  	s30 =	simm.s32 $0x20;
	[sflag:s11] =	ssyncadd.s32 $0xFFFFFC00  }
0x1f: {  	v17 =	vld [tilespmem:s30+$0x10]  }
0x20: {  	v18 =	vld [tilespmem:s30+$0x0]  }
0x21: {  	v19 =	vld [tilespmem:s30+$0xFFFFFFE0]  }
0x22: {  	v20 =	vld [tilespmem:s30+$0xFFFFFFF0];
	_ =	sdelay $0x1  }
0x23: {  	(xrf1) =	vsort.ascd.msk.f32 $0xffff, v17, v1  }
0x24: {  	(xrf1) =	vsort.dscd.msk.f32 $0xffff, v18, v0  }
0x25: {  	(xrf1) =	vsort.dscd.msk.f32 $0xffff, v19, v0  }
0x26: {  	(xrf1) =	vsort.ascd.msk.f32 $0xffff, v20, v1;
	_ =	sdelay $0xa  }
0x27: {  	v17, v18, _ =	vpop (xrf1)  }
0x28: {  	v19, v55, _ =	vpop (xrf1)  }
0x29: {  	vm3 =	vge.f32 v19, v17;
	v21, v22, _ =	vpop (xrf1)  }
0x2a: {  	v17 =	vsel vm3, v19, v17;
	v18 =	vsel vm3, v55, v18;
	v19, v56, _ =	vpop (xrf1)  }
0x2b: {  	vm3 =	vge.f32 v21, v19;
	(xrf1) =	vsort.dscd.msk.f32 $0xffff, v17, v18  }
0x2c: {  	v17 =	vsel vm3, v21, v19;
	v18 =	vsel vm3, v22, v56  }
0x2d: {  	(xrf1) =	vsort.dscd.msk.f32 $0xffff, v17, v18;
	_ =	sdelay $0xb  }
0x2e: {  	_, v17, _ =	vpop (xrf1)  }
0x2f: {  	v17 =	vperm.xlane v17, v2  }
0x30: {  	_, v18, _ =	vpop (xrf1)  }
0x31: {  	v17 =	vsel vm1, v18, v17;
	v18 =	vmov s18  }
0x32: {  	v19 =	vshll.u32 v17, $0x10;
	v18 =	vshll.u32 v18, $0x3  }
0x33: {  	v19 =	vand.u32 $0xFFF80000, v19;
	v18 =	vor.u32 v3, v18  }
0x34: {  	v57 =	vand.u32 $0x7, v17;
	v19 =	vadd.s32 v18, v19  }
0x35: {  	v19 =	vor.u32 v57, v19;
	_ =	sdelay $0x2  }
0x36: {  	s24 =	simm.s32 $0x0  }
0x37: {  	s31 =	simm.s32 $0x420;
	s21 =	simm.s32 $0xA10;
	[tilespmem:s24+$0x800] =	vst v17  }
0x38: {  	[tilespmem:s21], [sflag:$0x1] =	stream.indirect_vreg.gather [hbm4b:s4+s3], $0x10, v19, vm0, $0xb8;
	[tilespmem:$0x2C20] =	vst v63  }
0x39: {  	v17 =	vld [tilespmem:s31+$0xFFFFFFF0]  }
0x3a: {  	v19 =	vld [tilespmem:s31+$0x0]  }
0x3b: {  	v58 =	vld [tilespmem:s31+$0x10];
	_ =	sdelay $0x1  }
0x3c: {  	v59 =	vld [tilespmem:s31+$0xFFFFFFE0]  }
0x3d: {  	(xrf1) =	vsort.ascd.msk.f32 $0xffff, v17, v1  }
0x3e: {  	(xrf1) =	vsort.dscd.msk.f32 $0xffff, v19, v0  }
0x3f: {  	(xrf1) =	vsort.ascd.msk.f32 $0xffff, v58, v1;
	_ =	sdelay $0x1  }
0x40: {  	(xrf1) =	vsort.dscd.msk.f32 $0xffff, v59, v0;
	_ =	sdelay $0x9  }
0x41: {  	v17, v19, _ =	vpop (xrf1)  }
0x42: {  	v60, v61, _ =	vpop (xrf1)  }
0x43: {  	v62, v23, _ =	vpop (xrf1)  }
0x44: {  	vm3 =	vge.f32 v60, v62  }
0x45: {  	v24, v25, _ =	vpop (xrf1);
	v20 =	vsel vm3, v60, v62;
	v21 =	vsel vm3, v61, v23  }
0x46: {  	vm3 =	vge.f32 v24, v17;
	(xrf1) =	vsort.dscd.msk.f32 $0xffff, v20, v21  }
0x47: {  	v17 =	vsel vm3, v24, v17;
	v19 =	vsel vm3, v25, v19  }
0x48: {  	(xrf1) =	vsort.dscd.msk.f32 $0xffff, v17, v19;
	_ =	sdelay $0xb  }
0x49: {  	_, v17, _ =	vpop (xrf1)  }
0x4a: {  	v17 =	vperm.xlane v17, v2  }
0x4b: {  	_, v19, _ =	vpop (xrf1)  }
0x4c: {  	v17 =	vsel vm1, v19, v17  }
0x4d: {  	v19 =	vshll.u32 v17, $0x10  }
0x4e: {  	v19 =	vand.u32 $0xFFF80000, v19  }
0x4f: {  	v63 =	vand.u32 $0x7, v17;
	v18 =	vadd.s32 v18, v19  }
0x50: {  	[tilespmem:s24+$0x908] =	vst v17;
	v17 =	vor.u32 v63, v18  }
0x51: {  	s25 =	simm.s32 $0x60;
	s26 =	smov.u32 s18;
	s28 =	simm.s32 $0x1A10  }
0x52: {  	s22 =	simm.s32 $0x1A10;
	s23 =	simm.s32 $0x40;
	s24 =	simm.s32 $0x460  }
.LBB2_3:
0x53: {  	s22 =	sadd.s32 $0x100, s22;
	s21 =	sadd.s32 $0x100, s21;
	s26 =	sadd.s32 $0x2, s26  }
0x54: {  	p0 =	sne.s32 s23, $0x3C0;
	s29 =	smov.u32 s23;
	s23 =	sadd.s32 $0x40, s23  }
0x55: {  	[tilespmem:s28], [sflag:$0x2] =	stream.indirect_vreg.gather [hbm4b:s5+s3], $0x10, v17, vm0, $0xb8;
	[tilespmem:$0x2C20] =	vst v63  }
0x56: {  	s28 =	smov.u32 s22;
	v17 =	vld [tilespmem:s25+$0x10]  }
0x57: {  	v18 =	vld [tilespmem:s25+$0x0]  }
0x58: {  	v19 =	vld [tilespmem:s25+$0xFFFFFFE0]  }
0x59: {  	v20 =	vld [tilespmem:s25+$0xFFFFFFF0];
	_ =	sdelay $0x1  }
0x5a: {  	(xrf1) =	vsort.ascd.msk.f32 $0xffff, v17, v1  }
0x5b: {  	(xrf1) =	vsort.dscd.msk.f32 $0xffff, v18, v0  }
0x5c: {  	(xrf1) =	vsort.dscd.msk.f32 $0xffff, v19, v0  }
0x5d: {  	(xrf1) =	vsort.ascd.msk.f32 $0xffff, v20, v1;
	_ =	sdelay $0xa  }
0x5e: {  	v17, v18, _ =	vpop (xrf1)  }
0x5f: {  	v19, v20, _ =	vpop (xrf1)  }
0x60: {  	vm3 =	vge.f32 v19, v17;
	v21, v22, _ =	vpop (xrf1)  }
0x61: {  	v17 =	vsel vm3, v19, v17;
	v18 =	vsel vm3, v20, v18;
	v19, v20, _ =	vpop (xrf1)  }
0x62: {  	vm3 =	vge.f32 v21, v19;
	(xrf1) =	vsort.dscd.msk.f32 $0xffff, v17, v18  }
0x63: {  	v17 =	vsel vm3, v21, v19;
	v18 =	vsel vm3, v22, v20  }
0x64: {  	(xrf1) =	vsort.dscd.msk.f32 $0xffff, v17, v18;
	_ =	sdelay $0xb  }
0x65: {  	_, v17, _ =	vpop (xrf1)  }
0x66: {  	v17 =	vperm.xlane v17, v2  }
0x67: {  	_, v18, _ =	vpop (xrf1)  }
0x68: {  	v17 =	vsel vm1, v18, v17;
	v18 =	vmov s26  }
0x69: {  	v19 =	vshll.u32 v17, $0x10;
	v18 =	vshll.u32 v18, $0x3  }
0x6a: {  	v19 =	vand.u32 $0xFFF80000, v19;
	v18 =	vor.u32 v3, v18  }
0x6b: {  	v20 =	vand.u32 $0x7, v17;
	v19 =	vadd.s32 v18, v19  }
0x6c: {  	v19 =	vor.u32 v20, v19;
	_ =	sdelay $0x2  }
0x6d: {  	s29 =	sshra.s32 s29, $0x2  }
0x6e: {  	[tilespmem:s29+$0x800] =	vst v17  }
0x6f: {  	[tilespmem:s21], [sflag:$0x1] =	stream.indirect_vreg.gather [hbm4b:s4+s3], $0x10, v19, vm0, $0xb8;
	[tilespmem:$0x2C20] =	vst v63  }
0x70: {  	v17 =	vld [tilespmem:s24+$0xFFFFFFF0]  }
0x71: {  	v19 =	vld [tilespmem:s24+$0x0]  }
0x72: {  	v20 =	vld [tilespmem:s24+$0x10]  }
0x73: {  	v21 =	vld [tilespmem:s24+$0xFFFFFFE0];
	_ =	sdelay $0x1  }
0x74: {  	(xrf1) =	vsort.ascd.msk.f32 $0xffff, v17, v1  }
0x75: {  	(xrf1) =	vsort.dscd.msk.f32 $0xffff, v19, v0  }
0x76: {  	(xrf1) =	vsort.ascd.msk.f32 $0xffff, v20, v1  }
0x77: {  	(xrf1) =	vsort.dscd.msk.f32 $0xffff, v21, v0;
	_ =	sdelay $0xa  }
0x78: {  	v17, v19, _ =	vpop (xrf1)  }
0x79: {  	v20, v21, _ =	vpop (xrf1)  }
0x7a: {  	v22, v23, _ =	vpop (xrf1)  }
0x7b: {  	vm3 =	vge.f32 v20, v22;
	v24, v25, _ =	vpop (xrf1)  }
0x7c: {  	vm4 =	vge.f32 v24, v17;
	v20 =	vsel vm3, v20, v22;
	v21 =	vsel vm3, v21, v23  }
0x7d: {  	v17 =	vsel vm4, v24, v17;
	v19 =	vsel vm4, v25, v19;
	(xrf1) =	vsort.dscd.msk.f32 $0xffff, v20, v21  }
0x7e: {  	(xrf1) =	vsort.dscd.msk.f32 $0xffff, v17, v19;
	_ =	sdelay $0xc  }
0x7f: {  	_, v17, _ =	vpop (xrf1)  }
0x80: {  	v17 =	vperm.xlane v17, v2;
	_, v19, _ =	vpop (xrf1);
	_ =	sdelay $0x1  }
0x81: {  	v17 =	vsel vm1, v19, v17  }
0x82: {  	[tilespmem:s29+$0x908] =	vst v17;
	v19 =	vshll.u32 v17, $0x10  }
.Ltmp0:
0x83: {  	v17 =	vand.u32 $0x7, v17;
	v19 =	vand.u32 $0xFFF80000, v19;
	(pc) =	sbr.rel @p0 .LBB2_3-.Ltmp0, $3  }
0x84: {  	v18 =	vadd.s32 v18, v19  }
0x85: {  	v17 =	vor.u32 v17, v18;
	_ =	sdelay $0x1  }
0x86: {  	s25 =	sadd.s32 $0x40, s25;
	s24 =	sadd.s32 $0x40, s24  }
0x87: {  	_ =	sdelay $0x3  }
0x88: {  	[tilespmem:s28], [sflag:$0x2] =	stream.indirect_vreg.gather [hbm4b:s5+s3], $0x10, v17, vm0, $0xb8;
	[tilespmem:$0x2C20] =	vst v63  }
0x89: {  	_ =	swait.ge [sflag:s13], $0x1000  }
0x8a: {  	[sflag:s13] =	ssyncset.done $0x0  }
0x8b: {  	[sflag:s13] =	ssyncadd.s32 $0xFFFFF000  }
0x8c: {  	_ =	swait.ge [sflag:s14], $0x1000  }
0x8d: {  	[sflag:s14] =	ssyncset.done $0x0  }
0x8e: {  	s21 =	simm.s32 $0xA50;
	[sflag:s14] =	ssyncadd.s32 $0xFFFFF000  }
0x8f: {  	v17 =	vld [tilespmem:s21+$0x0]  }
0x90: {  	v18 =	vld [tilespmem:s21+$0x30]  }
0x91: {  	v19 =	vld [tilespmem:s21+$0xFFFFFFD0]  }
0x92: {  	v20 =	vld [tilespmem:s21+$0xFFFFFFF0]  }
0x93: {  	v21 =	vld [tilespmem:s21+$0x20]  }
0x94: {  	v22 =	vld [tilespmem:s21+$0x10];
	(xrf1) =	vsort.dscd.msk.f32 $0xffff, v17, v6  }
0x95: {  	v17 =	vld [tilespmem:s21+$0xFFFFFFC0];
	(xrf1) =	vsort.ascd.msk.f32 $0xffff, v18, v9  }
0x96: {  	v18 =	vld [tilespmem:s21+$0xFFFFFFE0];
	(xrf1) =	vsort.ascd.msk.f32 $0xffff, v19, v1  }
0x97: {  	s22 =	simm.s32 $0x1A50;
	(xrf1) =	vsort.ascd.msk.f32 $0xffff, v20, v5  }
0x98: {  	v19 =	vld [tilespmem:s22+$0x30];
	(xrf1) =	vsort.dscd.msk.f32 $0xffff, v21, v8  }
0x99: {  	v20 =	vld [tilespmem:s22+$0x20];
	(xrf1) =	vsort.ascd.msk.f32 $0xffff, v22, v7  }
0x9a: {  	v21 =	vld [tilespmem:s22+$0x10];
	(xrf1) =	vsort.dscd.msk.f32 $0xffff, v17, v0  }
0x9b: {  	v17 =	vld [tilespmem:s22+$0x0];
	(xrf1) =	vsort.dscd.msk.f32 $0xffff, v18, v4  }
0x9c: {  	v18 =	vld [tilespmem:s22+$0xFFFFFFF0]  }
0x9d: {  	v22 =	vld [tilespmem:s22+$0xFFFFFFE0];
	(xrf1) =	vsort.ascd.msk.f32 $0xffff, v19, v9  }
0x9e: {  	v19 =	vld [tilespmem:s22+$0xFFFFFFD0];
	(xrf1) =	vsort.dscd.msk.f32 $0xffff, v20, v8  }
0x9f: {  	v20 =	vld [tilespmem:s22+$0xFFFFFFC0];
	(xrf1) =	vsort.ascd.msk.f32 $0xffff, v21, v7  }
0xa0: {  	(xrf1) =	vsort.dscd.msk.f32 $0xffff, v17, v6  }
0xa1: {  	(xrf1) =	vsort.ascd.msk.f32 $0xffff, v18, v5  }
0xa2: {  	(xrf1) =	vsort.dscd.msk.f32 $0xffff, v22, v4;
	v17, v18, _ =	vpop (xrf1)  }
0xa3: {  	(xrf1) =	vsort.ascd.msk.f32 $0xffff, v19, v1;
	v19, v21, _ =	vpop (xrf1)  }
0xa4: {  	(xrf1) =	vsort.dscd.msk.f32 $0xffff, v20, v0;
	v20, v22, _ =	vpop (xrf1)  }
0xa5: {  	v23, v24, _ =	vpop (xrf1)  }
0xa6: {  	v25, v26, _ =	vpop (xrf1)  }
0xa7: {  	v27, v28, _ =	vpop (xrf1)  }
0xa8: {  	vm3 =	vge.f32 v25, v19;
	v29, v30, _ =	vpop (xrf1)  }
0xa9: {  	v19 =	vsel vm3, v25, v19;
	v21 =	vsel vm3, v26, v21;
	v52, v31, _ =	vpop (xrf1);
	vm3 =	vge.f32 v29, v20  }
0xaa: {  	vm4 =	vge.f32 v52, v23;
	v22 =	vsel vm3, v30, v22  }
0xab: {  	v20 =	vsel vm3, v29, v20;
	v24 =	vsel vm4, v31, v24  }
0xac: {  	v53, v32, _ =	vpop (xrf1);
	v23 =	vsel vm4, v52, v23  }
0xad: {  	v55, v54, _ =	vpop (xrf1)  }
0xae: {  	vm3 =	vge.f32 v17, v27;
	(xrf1) =	vsort.dscd.msk.f32 $0xffff, v20, v22;
	v20, v22, _ =	vpop (xrf1)  }
0xaf: {  	v17 =	vsel vm3, v17, v27;
	(xrf1) =	vsort.ascd.msk.f32 $0xffff, v23, v24;
	vm14 =	vge.f32 v55, v53;
	v23, v24, _ =	vpop (xrf1)  }
0xb0: {  	v18 =	vsel vm3, v18, v28;
	v25 =	vsel vm14, v55, v53;
	vm3 =	vge.f32 v23, v20  }
0xb1: {  	v22 =	vsel vm3, v24, v22  }
0xb2: {  	v56 =	vsel vm14, v54, v32;
	(xrf1) =	vsort.ascd.msk.f32 $0xffff, v19, v21;
	v19, v21, _ =	vpop (xrf1);
	v20 =	vsel vm3, v23, v20  }
0xb3: {  	(xrf1) =	vsort.ascd.msk.f32 $0xffff, v25, v56;
	v25, v26, _ =	vpop (xrf1)  }
0xb4: {  	(xrf1) =	vsort.dscd.msk.f32 $0xffff, v17, v18;
	v17, v18, _ =	vpop (xrf1)  }
0xb5: {  	vm3 =	vge.f32 v25, v19;
	(xrf1) =	vsort.dscd.msk.f32 $0xffff, v20, v22;
	v20, v22, _ =	vpop (xrf1)  }
0xb6: {  	v19 =	vsel vm3, v25, v19;
	v21 =	vsel vm3, v26, v21;
	vm3 =	vge.f32 v20, v17  }
0xb7: {  	(xrf1) =	vsort.ascd.msk.f32 $0xffff, v19, v21;
	v17 =	vsel vm3, v20, v17;
	v18 =	vsel vm3, v22, v18  }
0xb8: {  	(xrf1) =	vsort.dscd.msk.f32 $0xffff, v17, v18;
	_ =	sdelay $0x5  }
0xb9: {  	v17, v18, _ =	vpop (xrf1)  }
0xba: {  	v19, v20, _ =	vpop (xrf1)  }
0xbb: {  	vm3 =	vge.f32 v17, v19  }
0xbc: {  	v21, v22, _ =	vpop (xrf1);
	v18 =	vsel vm3, v18, v20  }
0xbd: {  	v23, v57, _ =	vpop (xrf1);
	v17 =	vsel vm3, v17, v19  }
0xbe: {  	v58, v59, _ =	vpop (xrf1)  }
0xbf: {  	v19, v20, _ =	vpop (xrf1)  }
0xc0: {  	vm3 =	vge.f32 v58, v21;
	(xrf1) =	vsort.dscd.msk.f32 $0xffff, v17, v18;
	vm15 =	vge.f32 v19, v23;
	v17, v18, _ =	vpop (xrf1)  }
0xc1: {  	v21 =	vsel vm3, v58, v21;
	v22 =	vsel vm3, v59, v22;
	v19 =	vsel vm15, v19, v23;
	v23, v60, _ =	vpop (xrf1)  }
0xc2: {  	v20 =	vsel vm15, v20, v57;
	(xrf1) =	vsort.ascd.msk.f32 $0xffff, v21, v22;
	vm3 =	vge.f32 v23, v17  }
0xc3: {  	(xrf1) =	vsort.ascd.msk.f32 $0xffff, v19, v20;
	v17 =	vsel vm3, v23, v17;
	v18 =	vsel vm3, v60, v18  }
0xc4: {  	(xrf1) =	vsort.dscd.msk.f32 $0xffff, v17, v18;
	_ =	sdelay $0xa  }
0xc5: {  	v17, v18, _ =	vpop (xrf1)  }
0xc6: {  	v19, v20, _ =	vpop (xrf1)  }
0xc7: {  	v21, v22, _ =	vpop (xrf1)  }
0xc8: {  	vm3 =	vge.f32 v17, v19;
	v23, v61, _ =	vpop (xrf1)  }
0xc9: {  	v17 =	vsel vm3, v17, v19;
	v18 =	vsel vm3, v18, v20;
	vm3 =	vge.f32 v23, v21  }
0xca: {  	(xrf1) =	vsort.dscd.msk.f32 $0xffff, v17, v18;
	v17 =	vsel vm3, v23, v21;
	v18 =	vsel vm3, v61, v22  }
0xcb: {  	(xrf1) =	vsort.dscd.msk.f32 $0xffff, v17, v18;
	_ =	sdelay $0xc  }
0xcc: {  	v19, v17, _ =	vpop (xrf1)  }
0xcd: {  	v20, v18, _ =	vpop (xrf1)  }
0xce: {  	v21 =	vperm.xlane v19, v10;
	v22 =	vperm.xlane v20, v11;
	_ =	sdelay $0x1  }
0xcf: {  	v21 =	vadd.f32 v22, v21;
	_ =	sdelay $0x1  }
0xd0: {  	(xrf1) =	vsort.dscd.msk.f32 $0xffff, v21, v13;
	_ =	sdelay $0x7  }
0xd1: {  	s25 =	simm.s32 $0x0;
	v19 =	vperm.xlane v19, v12;
	v20 =	vperm.xlane v20, v15  }
0xd2: {  	v22 =	vld [tilespmem:s25+$0x908]  }
0xd3: {  	v19 =	vadd.f32 v20, v19;
	v21 =	vld [tilespmem:s25+$0x800];
	_ =	sdelay $0x1  }
0xd4: {  	v19 =	vnsel vm2, $0xFF800000, v19  }
0xd5: {  	v19 =	vperm.xlane v19, v14  }
0xd6: {  	v23 =	vshrl.u32 v18, $0x4;
	v20 =	vshrl.u32 v17, $0x4;
	v63, v62, _ =	vpop (xrf1)  }
0xd7: {  	v20 =	vperm.xlane v21, v20;
	v21 =	vperm.xlane v22, v23;
	vm3 =	vge.f32 v63, v19  }
0xd8: {  	v22 =	vsel vm3, v63, v19;
	v23 =	vsel vm3, v62, v16  }
0xd9: {  	s23 =	simm.s32 $0x20;
	v19 =	vshll.u32 v20, $0x4;
	v20 =	vshll.u32 v21, $0x4;
	(xrf1) =	vsort.dscd.msk.f32 $0xffff, v22, v23  }
.LBB2_5:
0xda: {  	_ =	sdelay $0x8  }
0xdb: {  	p0 =	sne.s32 s23, $0x3E0;
	s21 =	sadd.s32 $0x80, s21;
	s22 =	sadd.s32 $0x80, s22  }
0xdc: {  	s24 =	smov.u32 s23;
	s23 =	sadd.s32 $0x20, s23;
	_ =	sdelay $0x1  }
0xdd: {  	v17 =	vand.u32 $0xF, v17  }
0xde: {  	v17 =	vor.u32 v19, v17;
	v19, v21, _ =	vpop (xrf1)  }
0xdf: {  	v18 =	vand.u32 $0xF, v18;
	v22 =	vshrl.u32 v21, $0x3;
	v21 =	vand.u32 $0x7, v21;
	[tilespmem:s25+$0x2B18] =	vst v19  }
0xe0: {  	v18 =	vor.u32 v20, v18;
	v17 =	vperm.xlane v17, v22  }
0xe1: {  	v18 =	vperm.xlane v18, v21  }
0xe2: {  	v17 =	vshll.u32 v17, $0x9  }
0xe3: {  	v17 =	vadd.s32 v18, v17  }
0xe4: {  	[tilespmem:s25+$0x2A10] =	vst v17  }
0xe5: {  	v17 =	vld [tilespmem:s21+$0x0]  }
0xe6: {  	v18 =	vld [tilespmem:s21+$0x30]  }
0xe7: {  	v19 =	vld [tilespmem:s21+$0xFFFFFFD0]  }
0xe8: {  	v20 =	vld [tilespmem:s21+$0xFFFFFFF0]  }
0xe9: {  	v21 =	vld [tilespmem:s21+$0x20]  }
0xea: {  	v22 =	vld [tilespmem:s21+$0x10];
	(xrf1) =	vsort.dscd.msk.f32 $0xffff, v17, v6  }
0xeb: {  	v17 =	vld [tilespmem:s21+$0xFFFFFFC0];
	(xrf1) =	vsort.ascd.msk.f32 $0xffff, v18, v9  }
0xec: {  	v18 =	vld [tilespmem:s21+$0xFFFFFFE0];
	(xrf1) =	vsort.ascd.msk.f32 $0xffff, v19, v1  }
0xed: {  	(xrf1) =	vsort.ascd.msk.f32 $0xffff, v20, v5  }
0xee: {  	v19 =	vld [tilespmem:s22+$0x30];
	(xrf1) =	vsort.dscd.msk.f32 $0xffff, v21, v8  }
0xef: {  	v20 =	vld [tilespmem:s22+$0x20];
	(xrf1) =	vsort.ascd.msk.f32 $0xffff, v22, v7  }
0xf0: {  	v21 =	vld [tilespmem:s22+$0x10];
	(xrf1) =	vsort.dscd.msk.f32 $0xffff, v17, v0  }
0xf1: {  	v17 =	vld [tilespmem:s22+$0x0];
	(xrf1) =	vsort.dscd.msk.f32 $0xffff, v18, v4  }
0xf2: {  	v18 =	vld [tilespmem:s22+$0xFFFFFFF0]  }
0xf3: {  	v22 =	vld [tilespmem:s22+$0xFFFFFFE0];
	(xrf1) =	vsort.ascd.msk.f32 $0xffff, v19, v9  }
0xf4: {  	v19 =	vld [tilespmem:s22+$0xFFFFFFD0];
	(xrf1) =	vsort.dscd.msk.f32 $0xffff, v20, v8  }
0xf5: {  	v20 =	vld [tilespmem:s22+$0xFFFFFFC0];
	(xrf1) =	vsort.ascd.msk.f32 $0xffff, v21, v7  }
0xf6: {  	(xrf1) =	vsort.dscd.msk.f32 $0xffff, v17, v6  }
0xf7: {  	(xrf1) =	vsort.ascd.msk.f32 $0xffff, v18, v5  }
0xf8: {  	v17, v18, _ =	vpop (xrf1);
	(xrf1) =	vsort.dscd.msk.f32 $0xffff, v22, v4  }
0xf9: {  	v21, v22, _ =	vpop (xrf1);
	(xrf1) =	vsort.ascd.msk.f32 $0xffff, v19, v1  }
0xfa: {  	v19, v23, _ =	vpop (xrf1);
	(xrf1) =	vsort.dscd.msk.f32 $0xffff, v20, v0  }
0xfb: {  	v20, v24, _ =	vpop (xrf1)  }
0xfc: {  	v25, v26, _ =	vpop (xrf1)  }
0xfd: {  	vm3 =	vge.f32 v25, v21;
	v27, v28, _ =	vpop (xrf1)  }
0xfe: {  	vm4 =	vge.f32 v17, v27;
	v21 =	vsel vm3, v25, v21;
	v22 =	vsel vm3, v26, v22;
	v25, v26, _ =	vpop (xrf1)  }
0xff: {  	vm3 =	vge.f32 v25, v19;
	v17 =	vsel vm4, v17, v27;
	v18 =	vsel vm4, v18, v28;
	v27, v28, _ =	vpop (xrf1)  }
0x100: {  	v29 =	vsel vm3, v25, v19;
	v25 =	vsel vm3, v26, v23;
	vm3 =	vge.f32 v27, v20  }
0x101: {  	v27 =	vsel vm3, v27, v20;
	v28 =	vsel vm3, v28, v24;
	(xrf1) =	vsort.dscd.msk.f32 $0xffff, v29, v25;
	v19, v23, _ =	vpop (xrf1)  }
0x102: {  	(xrf1) =	vsort.ascd.msk.f32 $0xffff, v27, v28;
	v20, v24, _ =	vpop (xrf1)  }
0x103: {  	vm3 =	vge.f32 v20, v19;
	v25, v26, _ =	vpop (xrf1)  }
0x104: {  	v19 =	vsel vm3, v20, v19;
	v20 =	vsel vm3, v24, v23;
	(xrf1) =	vsort.ascd.msk.f32 $0xffff, v21, v22;
	v21, v22, _ =	vpop (xrf1)  }
0x105: {  	vm3 =	vge.f32 v21, v25;
	v23, v24, _ =	vpop (xrf1);
	(xrf1) =	vsort.ascd.msk.f32 $0xffff, v19, v20  }
0x106: {  	v27 =	vsel vm3, v21, v25;
	v25 =	vsel vm3, v22, v26;
	(xrf1) =	vsort.dscd.msk.f32 $0xffff, v17, v18;
	v17, v18, _ =	vpop (xrf1)  }
0x107: {  	vm3 =	vge.f32 v17, v23;
	v21, v22, _ =	vpop (xrf1);
	(xrf1) =	vsort.dscd.msk.f32 $0xffff, v27, v25  }
0x108: {  	v17 =	vsel vm3, v17, v23;
	v18 =	vsel vm3, v18, v24;
	v19, v20, _ =	vpop (xrf1)  }
0x109: {  	vm3 =	vge.f32 v19, v21  }
0x10a: {  	v19 =	vsel vm3, v19, v21;
	v20 =	vsel vm3, v20, v22;
	(xrf1) =	vsort.ascd.msk.f32 $0xffff, v17, v18  }
0x10b: {  	(xrf1) =	vsort.dscd.msk.f32 $0xffff, v19, v20;
	_ =	sdelay $0x3  }
0x10c: {  	v17, v18, _ =	vpop (xrf1)  }
0x10d: {  	v19, v20, _ =	vpop (xrf1)  }
0x10e: {  	vm3 =	vge.f32 v17, v19  }
0x10f: {  	v17 =	vsel vm3, v17, v19;
	v25 =	vsel vm3, v18, v20;
	v19, v20, _ =	vpop (xrf1)  }
0x110: {  	v21, v22, _ =	vpop (xrf1)  }
0x111: {  	v23, v24, _ =	vpop (xrf1)  }
0x112: {  	vm3 =	vge.f32 v23, v19;
	(xrf1) =	vsort.dscd.msk.f32 $0xffff, v17, v25;
	v17, v18, _ =	vpop (xrf1)  }
0x113: {  	v25 =	vsel vm3, v23, v19;
	v23 =	vsel vm3, v24, v20;
	vm3 =	vge.f32 v17, v21  }
0x114: {  	v17 =	vsel vm3, v17, v21;
	v18 =	vsel vm3, v18, v22;
	(xrf1) =	vsort.ascd.msk.f32 $0xffff, v25, v23  }
0x115: {  	v19, v20, _ =	vpop (xrf1)  }
0x116: {  	v21, v22, _ =	vpop (xrf1)  }
0x117: {  	vm3 =	vge.f32 v21, v19  }
0x118: {  	v19 =	vsel vm3, v21, v19;
	v20 =	vsel vm3, v22, v20;
	(xrf1) =	vsort.ascd.msk.f32 $0xffff, v17, v18  }
0x119: {  	(xrf1) =	vsort.dscd.msk.f32 $0xffff, v19, v20;
	_ =	sdelay $0x6  }
0x11a: {  	v17, v18, _ =	vpop (xrf1);
	_ =	sdelay $0x1  }
0x11b: {  	v19, v20, _ =	vpop (xrf1)  }
0x11c: {  	vm3 =	vge.f32 v17, v19  }
0x11d: {  	v21 =	vsel vm3, v17, v19;
	v19 =	vsel vm3, v18, v20  }
0x11e: {  	(xrf1) =	vsort.dscd.msk.f32 $0xffff, v21, v19  }
0x11f: {  	v17, v18, _ =	vpop (xrf1)  }
0x120: {  	v19, v20, _ =	vpop (xrf1)  }
0x121: {  	vm3 =	vge.f32 v19, v17  }
0x122: {  	v17 =	vsel vm3, v19, v17;
	v18 =	vsel vm3, v20, v18  }
0x123: {  	(xrf1) =	vsort.dscd.msk.f32 $0xffff, v17, v18;
	_ =	sdelay $0x4  }
0x124: {  	s25 =	sshra.s32 s24, $0x2  }
0x125: {  	v18 =	vld [tilespmem:s25+$0x800];
	_ =	sdelay $0x2  }
0x126: {  	v20, v17, _ =	vpop (xrf1)  }
0x127: {  	v19 =	vshrl.u32 v17, $0x4  }
0x128: {  	v23 =	vperm.xlane v18, v19  }
0x129: {  	v21 =	vld [tilespmem:s25+$0x908]  }
0x12a: {  	v19 =	vshll.u32 v23, $0x4  }
0x12b: {  	v22, v18, _ =	vpop (xrf1)  }
0x12c: {  	v24 =	vperm.xlane v20, v10;
	v23 =	vshrl.u32 v18, $0x4;
	v25 =	vperm.xlane v22, v11  }
0x12d: {  	v20 =	vperm.xlane v20, v12;
	v22 =	vperm.xlane v22, v15  }
0x12e: {  	v21 =	vperm.xlane v21, v23;
	v23 =	vadd.f32 v25, v24  }
0x12f: {  	v22 =	vadd.f32 v22, v20  }
0x130: {  	v20 =	vshll.u32 v21, $0x4;
	(xrf1) =	vsort.dscd.msk.f32 $0xffff, v23, v13  }
0x131: {  	v21 =	vnsel vm2, $0xFF800000, v22;
	_ =	sdelay $0xb  }
.Ltmp1:
0x132: {  	v21 =	vperm.xlane v21, v14;
	(pc) =	sbr.rel @p0 .LBB2_5-.Ltmp1, $4  }
0x133: {  	v22, v23, _ =	vpop (xrf1)  }
0x134: {  	vm3 =	vge.f32 v22, v21  }
0x135: {  	v21 =	vsel vm3, v22, v21;
	v22 =	vsel vm3, v23, v16  }
0x136: {  	(xrf1) =	vsort.dscd.msk.f32 $0xffff, v21, v22  }
0x137: {  	_ =	sdelay $0xc  }
0x138: {  	v17 =	vand.u32 $0xF, v17;
	v21, v22, _ =	vpop (xrf1)  }
0x139: {  	v18 =	vand.u32 $0xF, v18;
	v17 =	vor.u32 v19, v17;
	v19 =	vshrl.u32 v22, $0x3  }
0x13a: {  	v18 =	vor.u32 v20, v18;
	v22 =	vand.u32 $0x7, v22;
	v17 =	vperm.xlane v17, v19  }
0x13b: {  	v18 =	vperm.xlane v18, v22  }
0x13c: {  	v17 =	vshll.u32 v17, $0x9  }
0x13d: {  	[tilespmem:s25+$0x2B18] =	vst v21;
	v17 =	vadd.s32 v18, v17  }
0x13e: {  	s21 =	sadd.s32 s0, s20;
	[tilespmem:s25+$0x2A10] =	vst v17  }
0x13f: {  	[hbm4b:s21+s3] =	stream.linear.scatter [tilespmem:s15], [sflag:$0x3], $0x100, $0x38;
	[tilespmem:$0x2C20] =	vst v63  }
0x140: {  	s19 =	sadd.s32 $0x1, s19;
	_ =	swait.ge [sflag:s11], $0x100  }
0x141: {  	p0 =	sne.s32 s19, $0x40;
	[sflag:s11] =	ssyncset.done $0x0  }
.Ltmp2:
0x142: {  	s31 =	sadd.s32 s2, s20;
	[sflag:s11] =	ssyncadd.s32 $0xFFFFFF00;
	(pc) =	sbr.rel @p0 .LBB2_2-.Ltmp2, $4  }
0x143: {  	[hbm4b:s31+s3] =	stream.linear.scatter [tilespmem:s16], [sflag:$0x3], $0x100, $0x38;
	[tilespmem:$0x2C20] =	vst v63  }
0x144: {  	_ =	swait.ge [sflag:s11], $0x100  }
0x145: {  	[sflag:s11] =	ssyncset.done $0x0  }
0x146: {  	s18 =	sadd.s32 $0x20, s18;
	[sflag:s11] =	ssyncadd.s32 $0xFFFFFF00  }
0x147: {  	s17 =	sadd.s32 $0x1, s17  }
0x148: {  	p0 =	sne.s32 s17, s10  }
.Ltmp3:
0x149: {  	_ = 	snop;
	(pc) =	sbr.rel @p0 .LBB2_1-.Ltmp3, $1  }
0x14a: {  	_ =	sdelay $0x3  }
0x14b: {  	_ =	sfence.sel $0x180000  }
0x14c: {  	[bflag:$0x0] =	sbarrier.arrive $0xFFFF  }
0x14d: {  	p0 =	sne.s32 s7, $0x0;
	_ =	strace $0x90000047  }
0x14e: {  	s0 =	sadd.s32 @!p0 $0x100000, s1;
	[bflag:$0x2] =	sbarrier.arrive $0xFFFF  }
0x14f: {  	[sflag:s0] =	ssyncadd.tile.s32 @!p0 $0x1;
	_ =	shalt  }
.Lfunc_end2:
_tile_overlayer_lowered:
.L_overlay_start_2:
0x150: {  	(tag) =	ssettag $0x2  }
0x151: {  	s0 =	rddreg [dreg:$0x0];
	s2 =	stileid.u32  }
0x152: {  	s1 =	rddreg [dreg:$0x1];
	p0 =	sne.s32 s2, $0x0  }
0x153: {  	s3 =	rddreg [dreg:$0x2];
	[bflag:$0x3] =	sbarrier.arrive $0xFFFF;
	s2 =	simm.s32 @!p0 $0x1C03  }
0x154: {  	[timem:s3], [sflag:s2] =	dma.local @!p0 [hbm:s0], s1  }
0x155: {  	s0 =	simm.s32 @!p0 $0x3  }
0x156: {  	_ =	swait.ge @!p0 [sflag:s0], s1  }
0x157: {  	s1 =	ssub.s32 @!p0 $0x0, s1;
	[sflag:s0] =	ssyncset.done @!p0 $0x0  }
0x158: {  	[sflag:s0] =	ssyncadd.s32 @!p0 s1  }
0x159: {  	[bflag:$0x3] =	sbarrier.arrive $0xFFFF  }
0x15a: {  	_ =	shalt  }

</sc_bundles>
